<compile_context>
chip_gen: v7x
topology: tpu7x:2x2x1
jax: 0.10.2.dev20260603
libtpu: 0.0.44.dev20260713+nightly
codegen_flags: <defaults>
</compile_context>

<pallas_src>
import functools

import jax
import jax.numpy as jnp
from jax import lax
from jax.experimental import pallas as pl
from jax.experimental.pallas import tpu as pltpu
from jax.experimental.pallas import tpu_sc as plsc

PATCH_SIZE = 16
SEARCH_SIZE = 384

_NUM_TILES = 32
_LANES = 16
_HALF = 288


def _make_sc_reduce(num_mats, seq, num_patches, tc_mats):
    all_per_tile = num_mats // _NUM_TILES
    own_mats = num_mats - tc_mats
    own_halves = own_mats * 2 // _NUM_TILES
    assert own_halves * _NUM_TILES == own_mats * 2
    full_chunks = (seq // 128) * 8
    mesh = plsc.VectorSubcoreMesh(core_axis_name="c", subcore_axis_name="s")

    @functools.partial(
        pl.kernel,
        mesh=mesh,
        out_type=[
            jax.ShapeDtypeStruct((_NUM_TILES, _LANES), jnp.float32),
            jax.ShapeDtypeStruct((_LANES,), jnp.float32),
        ],
        scratch_types=[
            pltpu.VMEM((_LANES,), jnp.int32),
            pltpu.VMEM((_HALF, 128), jnp.float32),
            pltpu.VMEM((_HALF, 128), jnp.float32),
            pltpu.VMEM((_LANES,), jnp.float32),
            pltpu.SemaphoreType.DMA,
            pltpu.SemaphoreType.DMA,
        ],
    )
    def sc_reduce(attn_hbm, bbox_hbm, out_hbm, cnt_hbm, bbox_v, slab_a,
                  slab_b, acc_v, sem_a, sem_b):
        wid = lax.axis_index("s") * 2 + lax.axis_index("c")
        pltpu.sync_copy(bbox_hbm, bbox_v.at[pl.ds(0, 4)])
        bb = bbox_v[...]
        x, y, w, h = bb[0], bb[1], bb[2], bb[3]
        i_lo = jnp.maximum(0, y >> 4)
        i_hi = jnp.minimum(num_patches, (y + h + PATCH_SIZE - 1) >> 4)
        j_lo = jnp.maximum(0, x >> 4)
        j_hi = jnp.minimum(num_patches, (x + w + PATCH_SIZE - 1) >> 4)
        lane = jax.lax.iota(jnp.int32, _LANES)
        jt0 = jnp.clip((i_lo * num_patches + j_lo) >> 7, 0, (seq // 128) - 1)

        slabs = (slab_a, slab_b)
        sems = (sem_a, sem_b)

        def piece_src(c_jtile, mat, half):
            r0 = half * _HALF
            col0 = pl.multiple_of(c_jtile * 128, 128)
            return attn_hbm.at[mat, pl.ds(r0, _HALF), pl.ds(col0, 128)]

        def reduce_half(buf, off):
            def red_body(i, accs):
                a0, a1, a2, a3 = accs
                b = i * 4
                return (
                    a0 + buf[b, pl.ds(off, _LANES)],
                    a1 + buf[b + 1, pl.ds(off, _LANES)],
                    a2 + buf[b + 2, pl.ds(off, _LANES)],
                    a3 + buf[b + 3, pl.ds(off, _LANES)],
                )

            z = jnp.zeros((_LANES,), jnp.float32)
            a0, a1, a2, a3 = lax.fori_loop(0, _HALF // 4, red_body,
                                           (z, z, z, z))
            return (a0 + a1) + (a2 + a3)

        def gather_pieces(jtile, off, m, pieces):
            handles = [pltpu.async_copy(
                piece_src(jtile, pieces[0][0], pieces[0][1]), slabs[0],
                sems[0])]
            csum = jnp.zeros((_LANES,), jnp.float32)
            for j in range(len(pieces)):
                if j + 1 < len(pieces):
                    handles.append(
                        pltpu.async_copy(
                            piece_src(jtile, pieces[j + 1][0],
                                      pieces[j + 1][1]),
                            slabs[(j + 1) % 2], sems[(j + 1) % 2])
                    )
                handles[j].wait()
                csum = csum + reduce_half(slabs[j % 2], off)
            acc_v[...] = acc_v[...] + csum * m

        def seg_hit(ai, rlo, rhi):
            row_ok = jnp.logical_and(ai >= i_lo, ai < i_hi)
            seg_ok = jnp.maximum(rlo, j_lo) < jnp.minimum(rhi, j_hi)
            return jnp.logical_and(row_ok, seg_ok)

        acc_v[...] = jnp.zeros((_LANES,), jnp.float32)

        def chunk_body(c, carry):
            pi, pj, a_i, a_r = carry
            m_bool = (pi >= i_lo) & (pi < i_hi) & (pj >= j_lo) & (pj < j_hi)
            m = jnp.where(
                m_bool,
                jnp.zeros((_LANES,), jnp.float32) + 1.0,
                jnp.zeros((_LANES,), jnp.float32),
            )
            hit1 = seg_hit(a_i, a_r, jnp.minimum(num_patches, a_r + _LANES))
            hit2 = jnp.logical_and(
                a_r + _LANES > num_patches,
                seg_hit(a_i + 1, 0, a_r + _LANES - num_patches),
            )
            active = jnp.logical_or(hit1, hit2)
            jtile = c // 8
            off = (c - jtile * 8) * _LANES
            in_tc_tile = jtile == jt0

            @pl.when(jnp.logical_and(active, in_tc_tile))
            def _():
                gather_pieces(
                    jtile, off, m,
                    [(tc_mats + (wid * own_halves + k) // 2,
                      (wid * own_halves + k) % 2)
                     for k in range(own_halves)],
                )

            @pl.when(jnp.logical_and(active, jnp.logical_not(in_tc_tile)))
            def _():
                gather_pieces(
                    jtile, off, m,
                    [(wid * all_per_tile + k, half)
                     for k in range(all_per_tile) for half in (0, 1)],
                )

            pj2 = pj + _LANES
            wrap = pj2 >= num_patches
            pj2 = jnp.where(wrap, pj2 - num_patches, pj2)
            pi2 = jnp.where(wrap, pi + 1, pi)
            a_r2 = a_r + _LANES
            awrap = a_r2 >= num_patches
            a_r2 = jnp.where(awrap, a_r2 - num_patches, a_r2)
            a_i2 = jnp.where(awrap, a_i + 1, a_i)
            return (pi2, pj2, a_i2, a_r2)

        lax.fori_loop(
            0, full_chunks, chunk_body,
            (jnp.zeros((_LANES,), jnp.int32), lane,
             jnp.zeros((), jnp.int32), jnp.zeros((), jnp.int32)),
        )

        pltpu.sync_copy(acc_v, out_hbm.at[wid])

        @pl.when(wid == 0)
        def _():
            count = jnp.maximum(0, i_hi - i_lo) * jnp.maximum(0, j_hi - j_lo)
            acc_v[...] = (jnp.zeros((_LANES,), jnp.int32) + count).astype(
                jnp.float32
            )
            pltpu.sync_copy(acc_v, cnt_hbm)

    return sc_reduce


def _make_tc_reduce(tc_mats, seq, num_patches):
    mats_per_step = 8
    steps = tc_mats // mats_per_step
    n_jt = seq // 128

    def _bounds(bb):
        x, y, w, h = bb[0], bb[1], bb[2], bb[3]
        i_lo = jnp.maximum(0, y // PATCH_SIZE)
        i_hi = jnp.minimum(num_patches, (y + h + PATCH_SIZE - 1) // PATCH_SIZE)
        j_lo = jnp.maximum(0, x // PATCH_SIZE)
        j_hi = jnp.minimum(num_patches, (x + w + PATCH_SIZE - 1) // PATCH_SIZE)
        return i_lo, i_hi, j_lo, j_hi

    def _jt0(bb):
        i_lo, _, j_lo, _ = _bounds(bb)
        return jnp.clip((i_lo * num_patches + j_lo) // 128, 0, n_jt - 1)

    def tc_body(bb_ref, attn_ref, o_ref):
        i_lo, i_hi, j_lo, j_hi = _bounds(bb_ref)
        jt0 = _jt0(bb_ref)
        col = jt0 * 128 + jax.lax.broadcasted_iota(jnp.int32, (1, 128), 1)
        pi = (col * 2731) >> 16
        pj = col - pi * num_patches
        mask = jnp.where(
            (pi >= i_lo) & (pi < i_hi) & (pj >= j_lo) & (pj < j_hi),
            jnp.float32(1.0), jnp.float32(0.0),
        )
        colsums = jnp.sum(attn_ref[...], axis=(0, 1))
        o_ref[pl.program_id(0), 0] = jnp.sum(colsums * mask[0])

    return pl.pallas_call(
        tc_body,
        grid_spec=pltpu.PrefetchScalarGridSpec(
            num_scalar_prefetch=1,
            grid=(steps,),
            in_specs=[
                pl.BlockSpec((mats_per_step, seq, 128),
                             lambda m, bb: (m, 0, _jt0(bb))),
            ],
            out_specs=pl.BlockSpec(
                (steps, 1), lambda m, bb: (0, 0), memory_space=pltpu.SMEM
            ),
        ),
        out_shape=jax.ShapeDtypeStruct((steps, 1), jnp.float32),
    )


def kernel(attn_weights, bbox):
    num_patches = SEARCH_SIZE // PATCH_SIZE
    search_seq_len = num_patches**2

    num_layers, batch, heads, seq, seq2 = attn_weights.shape
    assert seq == search_seq_len and seq2 == search_seq_len
    num_mats = num_layers * batch * heads
    rows_total = num_mats * seq
    tc_mats = num_mats // 2

    attn3 = attn_weights.reshape(num_mats, seq, seq)

    partials, cntv = _make_sc_reduce(num_mats, seq, num_patches, tc_mats)(
        attn3, bbox
    )
    tc_sums = _make_tc_reduce(tc_mats, seq, num_patches)(bbox, attn3)

    total = jnp.sum(
        jnp.concatenate([partials.reshape(-1), tc_sums.reshape(-1)])
    )
    count = cntv[0]
    safe_count = jnp.maximum(count, jnp.float32(1.0))

    x, y, w, h = bbox[0], bbox[1], bbox[2], bbox[3]
    i_lo = jnp.maximum(0, y // PATCH_SIZE)
    i_hi = jnp.minimum(num_patches, (y + h + PATCH_SIZE - 1) // PATCH_SIZE)
    j_lo = jnp.maximum(0, x // PATCH_SIZE)
    j_hi = jnp.minimum(num_patches, (x + w + PATCH_SIZE - 1) // PATCH_SIZE)

    tail0 = (seq // 128) * 128
    max_col = (i_hi - 1) * num_patches + (j_hi - 1)
    has_tail = jnp.logical_and(count > 0, max_col >= tail0)

    def _tail_sum(_):
        p = jnp.arange(tail0, search_seq_len, dtype=jnp.int32)
        pi = p // num_patches
        pj = p % num_patches
        tail_mask = (
            (pi >= i_lo) & (pi < i_hi) & (pj >= j_lo) & (pj < j_hi)
        ).astype(jnp.float32)
        return jnp.einsum(
            "mrk,k->", attn3[:, :, tail0:], tail_mask,
            preferred_element_type=jnp.float32,
        )

    tail_total = lax.cond(has_tail, _tail_sum, lambda _: jnp.float32(0.0), 0)

    loss = (total + tail_total) / (safe_count * jnp.float32(rows_total))
    return jnp.where(count == 0, jnp.float32(0.0), loss)

# --- scband reference (transcript-rebuilt; emitter-appended) ---
"""Pipeline reference for scband-encoder-attention-loss-78323023610109 (READ-ONLY COPY).

The authoritative reference and input builder live on the scoring server;
editing this copy changes nothing except your own understanding.
"""

import jax, jax.numpy as jnp
import numpy as np

PATCH_SIZE = 16
SEARCH_SIZE = 384


def calculate_bbox_patch_indices(bbox, patch_size, image_size):
    x, y, w, h = [int(v) for v in bbox]
    x1, y1 = x, y
    x2, y2 = x + w, y + h
    num_patches = image_size // patch_size
    patch_indices = []
    for i in range(max(0, y1 // patch_size), min(num_patches, (y2 + patch_size - 1) // patch_size)):
        for j in range(max(0, x1 // patch_size), min(num_patches, (x2 + patch_size - 1) // patch_size)):
            patch_indices.append(i * num_patches + j)
    return patch_indices


def setup_inputs(seed: int = 0) -> dict:
    key = jax.random.key(seed)
    k1, _ = jax.random.split(key)
    # stacked list of encoder attention maps: [num_layers, batch, num_heads, seq, seq]
    attn_weights = jax.random.uniform(k1, (4, 2, 12, 576, 576), dtype=jnp.float32)
    bbox = jnp.arange(4, dtype=jnp.int32)  # (x, y, w, h) = (0, 1, 2, 3)
    return {"attn_weights": attn_weights, "bbox": bbox}


def reference(attn_weights, bbox):
    x, y, w, h = bbox[0], bbox[1], bbox[2], bbox[3]
    num_patches = SEARCH_SIZE // PATCH_SIZE
    search_seq_len = num_patches ** 2
    p = jnp.arange(search_seq_len, dtype=jnp.int32)
    pi = p // num_patches
    pj = p % num_patches
    i_lo = jnp.maximum(0, y // PATCH_SIZE)
    i_hi = jnp.minimum(num_patches, (y + h + PATCH_SIZE - 1) // PATCH_SIZE)
    j_lo = jnp.maximum(0, x // PATCH_SIZE)
    j_hi = jnp.minimum(num_patches, (x + w + PATCH_SIZE - 1) // PATCH_SIZE)
    mask = ((pi >= i_lo) & (pi < i_hi) & (pj >= j_lo) & (pj < j_hi)).astype(jnp.float32)
    count = mask.sum()
    safe_count = jnp.maximum(count, jnp.float32(1.0))
    num_layers = attn_weights.shape[0]
    total_loss = jnp.float32(0.0)
    for l in range(num_layers):
        layer_attn = attn_weights[l]
        search_attn = layer_attn[:, :, :search_seq_len, :search_seq_len]
        correct_attn = (search_attn * mask).sum(axis=-1) / safe_count
        total_loss = total_loss + correct_attn.mean()
    return jnp.where(count == 0, jnp.float32(0.0), total_loss / num_layers)

if __name__ == "__main__":
    import jax
    _d = setup_inputs()
    print(jax.jit(kernel)(*tuple(_d.values())))

</pallas_src>

<mosaic_0001>
#map = affine_map<(d0, d1) -> (0, 0, 0)>
#map1 = affine_map<(d0, d1) -> (0)>
#map2 = affine_map<(d0, d1) -> (0, 0)>
module attributes {stable_mosaic.version = 14 : i64} {
  func.func @sc_reduce(%arg0: i32, %arg1: i32, %arg2: memref<96x576x576xf32, #tpu.memory_space<hbm>>, %arg3: memref<4xi32, #tpu.memory_space<hbm>>, %arg4: memref<32x16xf32, #tpu.memory_space<hbm>>, %arg5: memref<16xf32, #tpu.memory_space<hbm>>, %arg6: memref<16xi32, #tpu.memory_space<vmem>>, %arg7: memref<288x128xf32, #tpu.memory_space<vmem>>, %arg8: memref<288x128xf32, #tpu.memory_space<vmem>>, %arg9: memref<16xf32, #tpu.memory_space<vmem>>, %arg10: memref<!tpu.dma_semaphore, #tpu.memory_space<semaphore_mem>>, %arg11: memref<!tpu.dma_semaphore, #tpu.memory_space<semaphore_mem>>) attributes {dimension_semantics = [#tpu.dimension_semantics<core_parallel>, #tpu.dimension_semantics<subcore_parallel>], iteration_bounds = array<i64: 2, 16>, scalar_prefetch = 0 : i64, scratch_operands = 6 : i64, tpu.core_type = #tpu.core_type<sc_vector_subcore>, window_params = [{transform_indices = #map}, {transform_indices = #map1}, {transform_indices = #map2}, {transform_indices = #map1}]} {
    %mul3A = arith.constant 2 : i32
    %mul3A_0 = arith.muli %arg1, %mul3A : i32
    %add3A = arith.addi %mul3A_0, %arg0 : i32
    "tpu.region"() ({
      %run_scoped3A = tpu.sem_alloc : memref<!tpu.dma_semaphore, #tpu.memory_space<semaphore_mem>>
      %dma_start3A = arith.constant 0 : i32
      %dma_start3A_54 = tpu.memref_slice %arg6[%dma_start3A] : memref<16xi32, #tpu.memory_space<vmem>> -> memref<4xi32, #tpu.memory_space<vmem>>
      %dma_start3A_55 = arith.constant 0 : i32
      %dma_start3A_56 = tpu.memref_slice %arg6[%dma_start3A_55] : memref<16xi32, #tpu.memory_space<vmem>> -> memref<4xi32, #tpu.memory_space<vmem>>
      tpu.enqueue_dma source(%arg3 : memref<4xi32, #tpu.memory_space<hbm>>) target(%dma_start3A_56 : memref<4xi32, #tpu.memory_space<vmem>>) target_semaphore(%run_scoped3A : memref<!tpu.dma_semaphore, #tpu.memory_space<semaphore_mem>>)
      %dma_wait3A = arith.constant 0 : i32
      %dma_wait3A_57 = tpu.memref_slice %arg6[%dma_wait3A] : memref<16xi32, #tpu.memory_space<vmem>> -> memref<4xi32, #tpu.memory_space<vmem>>
      %dma_wait3A_58 = arith.constant 0 : i32
      %dma_wait3A_59 = tpu.memref_slice %arg6[%dma_wait3A_58] : memref<16xi32, #tpu.memory_space<vmem>> -> memref<4xi32, #tpu.memory_space<vmem>>
      tpu.wait_dma2 semaphore(%run_scoped3A : memref<!tpu.dma_semaphore, #tpu.memory_space<semaphore_mem>>) src(%arg3 : memref<4xi32, #tpu.memory_space<hbm>>) dst(%dma_wait3A_59 : memref<4xi32, #tpu.memory_space<vmem>>)
      tpu.yield
    }) : () -> ()
    %get3A = arith.constant 0 : index
    %get3A_1 = tpu.vector_load %arg6[%get3A] {strides = array<i32>} : memref<16xi32, #tpu.memory_space<vmem>>, vector<16xi32>,
    %get3A_2 = vector.shape_cast %get3A_1 : vector<16xi32> to vector<16xi32>
    %slice3A = vector.extract_strided_slice %get3A_2 {offsets = [0], sizes = [1], strides = [1]} : vector<16xi32> to vector<1xi32>
    %squeeze3A = vector.extract %slice3A[0] : i32 from vector<1xi32>
    %slice3A_3 = vector.extract_strided_slice %get3A_2 {offsets = [1], sizes = [1], strides = [1]} : vector<16xi32> to vector<1xi32>
    %squeeze3A_4 = vector.extract %slice3A_3[0] : i32 from vector<1xi32>
    %slice3A_5 = vector.extract_strided_slice %get3A_2 {offsets = [2], sizes = [1], strides = [1]} : vector<16xi32> to vector<1xi32>
    %squeeze3A_6 = vector.extract %slice3A_5[0] : i32 from vector<1xi32>
    %slice3A_7 = vector.extract_strided_slice %get3A_2 {offsets = [3], sizes = [1], strides = [1]} : vector<16xi32> to vector<1xi32>
    %squeeze3A_8 = vector.extract %slice3A_7[0] : i32 from vector<1xi32>
    %shift_right_arithmetic3A = arith.constant 4 : i32
    %shift_right_arithmetic3A_9 = arith.shrsi %squeeze3A_4, %shift_right_arithmetic3A : i32
    %max3A = arith.constant 0 : i32
    %max3A_10 = arith.maxsi %max3A, %shift_right_arithmetic3A_9 : i32
    %add3A_11 = arith.addi %squeeze3A_4, %squeeze3A_8 : i32
    %add3A_12 = arith.constant 16 : i32
    %add3A_13 = arith.addi %add3A_11, %add3A_12 : i32
    %sub3A = arith.constant 1 : i32
    %sub3A_14 = arith.subi %add3A_13, %sub3A : i32
    %shift_right_arithmetic3A_15 = arith.constant 4 : i32
    %shift_right_arithmetic3A_16 = arith.shrsi %sub3A_14, %shift_right_arithmetic3A_15 : i32
    %min3A = arith.constant 24 : i32
    %min3A_17 = arith.minsi %min3A, %shift_right_arithmetic3A_16 : i32
    %shift_right_arithmetic3A_18 = arith.constant 4 : i32
    %shift_right_arithmetic3A_19 = arith.shrsi %squeeze3A, %shift_right_arithmetic3A_18 : i32
    %max3A_20 = arith.constant 0 : i32
    %max3A_21 = arith.maxsi %max3A_20, %shift_right_arithmetic3A_19 : i32
    %add3A_22 = arith.addi %squeeze3A, %squeeze3A_6 : i32
    %add3A_23 = arith.constant 16 : i32
    %add3A_24 = arith.addi %add3A_22, %add3A_23 : i32
    %sub3A_25 = arith.constant 1 : i32
    %sub3A_26 = arith.subi %add3A_24, %sub3A_25 : i32
    %shift_right_arithmetic3A_27 = arith.constant 4 : i32
    %shift_right_arithmetic3A_28 = arith.shrsi %sub3A_26, %shift_right_arithmetic3A_27 : i32
    %min3A_29 = arith.constant 24 : i32
    %min3A_30 = arith.minsi %min3A_29, %shift_right_arithmetic3A_28 : i32
    %iota3A = tpu.iota {dimensions = array<i32: 0>} : vector<16xi32>
    %mul3A_31 = arith.constant 24 : i32
    %mul3A_32 = arith.muli %max3A_10, %mul3A_31 : i32
    %add3A_33 = arith.addi %mul3A_32, %max3A_21 : i32
    %shift_right_arithmetic3A_34 = arith.constant 7 : i32
    %shift_right_arithmetic3A_35 = arith.shrsi %add3A_33, %shift_right_arithmetic3A_34 : i32
    %jit3A = arith.constant 0 : i32
    %jit3A_36 = arith.constant 3 : i32
    %max3A_37 = arith.maxsi %jit3A, %shift_right_arithmetic3A_35 : i32
    %min3A_38 = arith.minsi %jit3A_36, %max3A_37 : i32
    %broadcast_in_dim3A = arith.constant 0.000000e+00 : f32
    %broadcast_in_dim3A_39 = vector.broadcast %broadcast_in_dim3A : f32 to vector<16xf32>
    %swap3A = arith.constant 0 : index
    %swap3A_40 = tpu.vector_load %arg9[%swap3A] {strides = array<i32>} : memref<16xf32, #tpu.memory_space<vmem>>, vector<16xf32>,
    %swap3A_41 = vector.shape_cast %swap3A_40 : vector<16xf32> to vector<16xf32>
    %swap3A_42 = vector.shape_cast %broadcast_in_dim3A_39 : vector<16xf32> to vector<16xf32>
    tpu.vector_store %arg9[%swap3A], %swap3A_42 {strides = array<i32>} : memref<16xf32, #tpu.memory_space<vmem>>, vector<16xf32>,
    %broadcast_in_dim3A_43 = arith.constant 0 : i32
    %broadcast_in_dim3A_44 = vector.broadcast %broadcast_in_dim3A_43 : i32 to vector<16xi32>
    %scan3A = arith.constant 0 : i32
    %scan3A_45 = arith.constant 0 : i32
    %scan3A_46 = arith.constant 0 : i32
    %scan3A_47 = arith.constant 32 : i32
    %scan3A_48 = arith.addi %scan3A_46, %scan3A_47 : i32
    %scan3A_49 = arith.constant 1 : i32
    %scan3A_50:4 = scf.for %scan3A_54 = %scan3A_46 to %scan3A_48 step %scan3A_49 iter_args(%scan3A_55 = %broadcast_in_dim3A_44, %scan3A_56 = %iota3A, %scan3A_57 = %scan3A, %scan3A_58 = %scan3A_45) -> (vector<16xi32>, vector<16xi32>, i32, i32)  : i32 {
      %ge3A = vector.broadcast %max3A_10 : i32 to vector<16xi32>
      %ge3A_59 = arith.cmpi sge, %scan3A_55, %ge3A : vector<16xi32>
      %lt3A = vector.broadcast %min3A_17 : i32 to vector<16xi32>
      %lt3A_60 = arith.cmpi slt, %scan3A_55, %lt3A : vector<16xi32>
      %and3A = arith.andi %ge3A_59, %lt3A_60 : vector<16xi1>
      %ge3A_61 = vector.broadcast %max3A_21 : i32 to vector<16xi32>
      %ge3A_62 = arith.cmpi sge, %scan3A_56, %ge3A_61 : vector<16xi32>
      %and3A_63 = arith.andi %and3A, %ge3A_62 : vector<16xi1>
      %lt3A_64 = vector.broadcast %min3A_30 : i32 to vector<16xi32>
      %lt3A_65 = arith.cmpi slt, %scan3A_56, %lt3A_64 : vector<16xi32>
      %and3A_66 = arith.andi %and3A_63, %lt3A_65 : vector<16xi1>
      %broadcast_in_dim3A_67 = arith.constant 0.000000e+00 : f32
      %broadcast_in_dim3A_68 = vector.broadcast %broadcast_in_dim3A_67 : f32 to vector<16xf32>
      %add3A_69 = arith.constant 1.000000e+00 : f32
      %add3A_70 = vector.broadcast %add3A_69 : f32 to vector<16xf32>
      %add3A_71 = arith.addf %broadcast_in_dim3A_68, %add3A_70 : vector<16xf32>
      %broadcast_in_dim3A_72 = arith.constant 0.000000e+00 : f32
      %broadcast_in_dim3A_73 = vector.broadcast %broadcast_in_dim3A_72 : f32 to vector<16xf32>
      %select_n3A = arith.select %and3A_66, %add3A_71, %broadcast_in_dim3A_73 : vector<16xi1>, vector<16xf32>
      %add3A_74 = arith.constant 16 : i32
      %add3A_75 = arith.addi %scan3A_58, %add3A_74 : i32
      %min3A_76 = arith.constant 24 : i32
      %min3A_77 = arith.minsi %min3A_76, %add3A_75 : i32
      %ge3A_78 = arith.cmpi sge, %scan3A_57, %max3A_10 : i32
      %lt3A_79 = arith.cmpi slt, %scan3A_57, %min3A_17 : i32
      %and3A_80 = arith.andi %ge3A_78, %lt3A_79 : i1
      %max3A_81 = arith.maxsi %scan3A_58, %max3A_21 : i32
      %min3A_82 = arith.minsi %min3A_77, %min3A_30 : i32
      %lt3A_83 = arith.cmpi slt, %max3A_81, %min3A_82 : i32
      %and3A_84 = arith.andi %and3A_80, %lt3A_83 : i1
      %add3A_85 = arith.constant 16 : i32
      %add3A_86 = arith.addi %scan3A_58, %add3A_85 : i32
      %gt3A = arith.constant 24 : i32
      %gt3A_87 = arith.cmpi sgt, %add3A_86, %gt3A : i32
      %add3A_88 = arith.constant 1 : i32
      %add3A_89 = arith.addi %scan3A_57, %add3A_88 : i32
      %add3A_90 = arith.constant 16 : i32
      %add3A_91 = arith.addi %scan3A_58, %add3A_90 : i32
      %sub3A_92 = arith.constant 24 : i32
      %sub3A_93 = arith.subi %add3A_91, %sub3A_92 : i32
      %ge3A_94 = arith.cmpi sge, %add3A_89, %max3A_10 : i32
      %lt3A_95 = arith.cmpi slt, %add3A_89, %min3A_17 : i32
      %and3A_96 = arith.andi %ge3A_94, %lt3A_95 : i1
      %max3A_97 = arith.constant 0 : i32
      %max3A_98 = arith.maxsi %max3A_97, %max3A_21 : i32
      %min3A_99 = arith.minsi %sub3A_93, %min3A_30 : i32
      %lt3A_100 = arith.cmpi slt, %max3A_98, %min3A_99 : i32
      %and3A_101 = arith.andi %and3A_96, %lt3A_100 : i1
      %and3A_102 = arith.andi %gt3A_87, %and3A_101 : i1
      %or3A = arith.ori %and3A_84, %and3A_102 : i1
      %jit3A_103 = arith.constant 8 : i32
      %div3A = arith.divsi %scan3A_54, %jit3A_103 : i32
      %sign3A = arith.constant 0 : i32
      %sign3A_104 = arith.cmpi sgt, %scan3A_54, %sign3A : i32
      %sign3A_105 = arith.extui %sign3A_104 : i1 to i32
      %sign3A_106 = arith.constant 0 : i32
      %sign3A_107 = arith.cmpi slt, %scan3A_54, %sign3A_106 : i32
      %sign3A_108 = arith.extui %sign3A_107 : i1 to i32
      %sign3A_109 = arith.subi %sign3A_105, %sign3A_108 : i32
      %sign3A_110 = arith.constant 0 : i32
      %sign3A_111 = arith.cmpi sgt, %jit3A_103, %sign3A_110 : i32
      %sign3A_112 = arith.extui %sign3A_111 : i1 to i32
      %sign3A_113 = arith.constant 0 : i32
      %sign3A_114 = arith.cmpi slt, %jit3A_103, %sign3A_113 : i32
      %sign3A_115 = arith.extui %sign3A_114 : i1 to i32
      %sign3A_116 = arith.subi %sign3A_112, %sign3A_115 : i32
      %ne3A = arith.cmpi ne, %sign3A_109, %sign3A_116 : i32
      %rem3A = arith.remsi %scan3A_54, %jit3A_103 : i32
      %ne3A_117 = arith.constant 0 : i32
      %ne3A_118 = arith.cmpi ne, %rem3A, %ne3A_117 : i32
      %and3A_119 = arith.andi %ne3A, %ne3A_118 : i1
      %sub3A_120 = arith.constant 1 : i32
      %sub3A_121 = arith.subi %div3A, %sub3A_120 : i32
      %select_n3A_122 = arith.select %and3A_119, %sub3A_121, %div3A : i32
      %mul3A_123 = arith.constant 8 : i32
      %mul3A_124 = arith.muli %select_n3A_122, %mul3A_123 : i32
      %sub3A_125 = arith.subi %scan3A_54, %mul3A_124 : i32
      %mul3A_126 = arith.constant 16 : i32
      %mul3A_127 = arith.muli %sub3A_125, %mul3A_126 : i32
      %eq3A_128 = arith.cmpi eq, %select_n3A_122, %min3A_38 : i32
      %and3A_129 = arith.andi %or3A, %eq3A_128 : i1
      %convert_element_type3A_130 = arith.extui %and3A_129 : i1 to i32
      %cond3A_131 = arith.constant 0 : i32
      %cond3A_132 = arith.cmpi ne, %convert_element_type3A_130, %cond3A_131 : i32
      scf.if %cond3A_132 {
        %mul3A_162 = arith.constant 3 : i32
        %mul3A_163 = arith.muli %add3A, %mul3A_162 : i32
        %add3A_164 = arith.constant 0 : i32
        %add3A_165 = arith.addi %mul3A_163, %add3A_164 : i32
        %jit3A_166 = arith.constant 2 : i32
        %div3A_167 = arith.divsi %add3A_165, %jit3A_166 : i32
        %sign3A_168 = arith.constant 0 : i32
        %sign3A_169 = arith.cmpi sgt, %add3A_165, %sign3A_168 : i32
        %sign3A_170 = arith.extui %sign3A_169 : i1 to i32
        %sign3A_171 = arith.constant 0 : i32
        %sign3A_172 = arith.cmpi slt, %add3A_165, %sign3A_171 : i32
        %sign3A_173 = arith.extui %sign3A_172 : i1 to i32
        %sign3A_174 = arith.subi %sign3A_170, %sign3A_173 : i32
        %sign3A_175 = arith.constant 0 : i32
        %sign3A_176 = arith.cmpi sgt, %jit3A_166, %sign3A_175 : i32
        %sign3A_177 = arith.extui %sign3A_176 : i1 to i32
        %sign3A_178 = arith.constant 0 : i32
        %sign3A_179 = arith.cmpi slt, %jit3A_166, %sign3A_178 : i32
        %sign3A_180 = arith.extui %sign3A_179 : i1 to i32
        %sign3A_181 = arith.subi %sign3A_177, %sign3A_180 : i32
        %ne3A_182 = arith.cmpi ne, %sign3A_174, %sign3A_181 : i32
        %rem3A_183 = arith.remsi %add3A_165, %jit3A_166 : i32
        %ne3A_184 = arith.constant 0 : i32
        %ne3A_185 = arith.cmpi ne, %rem3A_183, %ne3A_184 : i32
        %and3A_186 = arith.andi %ne3A_182, %ne3A_185 : i1
        %sub3A_187 = arith.constant 1 : i32
        %sub3A_188 = arith.subi %div3A_167, %sub3A_187 : i32
        %select_n3A_189 = arith.select %and3A_186, %sub3A_188, %div3A_167 : i32
        %add3A_190 = arith.constant 48 : i32
        %add3A_191 = arith.addi %add3A_190, %select_n3A_189 : i32
        %mul3A_192 = arith.constant 3 : i32
        %mul3A_193 = arith.muli %add3A, %mul3A_192 : i32
        %add3A_194 = arith.constant 0 : i32
        %add3A_195 = arith.addi %mul3A_193, %add3A_194 : i32
        %jit3A_196 = arith.constant 2 : i32
        %eq3A_197 = arith.constant 0 : i32
        %eq3A_198 = arith.cmpi eq, %jit3A_196, %eq3A_197 : i32
        %jit3A_199 = arith.constant 1 : i32
        %select_n3A_200 = arith.select %eq3A_198, %jit3A_199, %jit3A_196 : i32
        %rem3A_201 = arith.remsi %add3A_195, %select_n3A_200 : i32
        %ne3A_202 = arith.constant 0 : i32
        %ne3A_203 = arith.cmpi ne, %rem3A_201, %ne3A_202 : i32
        %lt3A_204 = arith.constant 0 : i32
        %lt3A_205 = arith.cmpi slt, %rem3A_201, %lt3A_204 : i32
        %lt3A_206 = arith.constant 0 : i32
        %lt3A_207 = arith.cmpi slt, %select_n3A_200, %lt3A_206 : i32
        %ne3A_208 = arith.xori %lt3A_205, %lt3A_207 : i1
        %and3A_209 = arith.andi %ne3A_208, %ne3A_203 : i1
        %add3A_210 = arith.addi %rem3A_201, %select_n3A_200 : i32
        %select_n3A_211 = arith.select %and3A_209, %add3A_210, %rem3A_201 : i32
        %mul3A_212 = arith.constant 3 : i32
        %mul3A_213 = arith.muli %add3A, %mul3A_212 : i32
        %add3A_214 = arith.constant 1 : i32
        %add3A_215 = arith.addi %mul3A_213, %add3A_214 : i32
        %jit3A_216 = arith.constant 2 : i32
        %div3A_217 = arith.divsi %add3A_215, %jit3A_216 : i32
        %sign3A_218 = arith.constant 0 : i32
        %sign3A_219 = arith.cmpi sgt, %add3A_215, %sign3A_218 : i32
        %sign3A_220 = arith.extui %sign3A_219 : i1 to i32
        %sign3A_221 = arith.constant 0 : i32
        %sign3A_222 = arith.cmpi slt, %add3A_215, %sign3A_221 : i32
        %sign3A_223 = arith.extui %sign3A_222 : i1 to i32
        %sign3A_224 = arith.subi %sign3A_220, %sign3A_223 : i32
        %sign3A_225 = arith.constant 0 : i32
        %sign3A_226 = arith.cmpi sgt, %jit3A_216, %sign3A_225 : i32
        %sign3A_227 = arith.extui %sign3A_226 : i1 to i32
        %sign3A_228 = arith.constant 0 : i32
        %sign3A_229 = arith.cmpi slt, %jit3A_216, %sign3A_228 : i32
        %sign3A_230 = arith.extui %sign3A_229 : i1 to i32
        %sign3A_231 = arith.subi %sign3A_227, %sign3A_230 : i32
        %ne3A_232 = arith.cmpi ne, %sign3A_224, %sign3A_231 : i32
        %rem3A_233 = arith.remsi %add3A_215, %jit3A_216 : i32
        %ne3A_234 = arith.constant 0 : i32
        %ne3A_235 = arith.cmpi ne, %rem3A_233, %ne3A_234 : i32
        %and3A_236 = arith.andi %ne3A_232, %ne3A_235 : i1
        %sub3A_237 = arith.constant 1 : i32
        %sub3A_238 = arith.subi %div3A_217, %sub3A_237 : i32
        %select_n3A_239 = arith.select %and3A_236, %sub3A_238, %div3A_217 : i32
        %add3A_240 = arith.constant 48 : i32
        %add3A_241 = arith.addi %add3A_240, %select_n3A_239 : i32
        %mul3A_242 = arith.constant 3 : i32
        %mul3A_243 = arith.muli %add3A, %mul3A_242 : i32
        %add3A_244 = arith.constant 1 : i32
        %add3A_245 = arith.addi %mul3A_243, %add3A_244 : i32
        %jit3A_246 = arith.constant 2 : i32
        %eq3A_247 = arith.constant 0 : i32
        %eq3A_248 = arith.cmpi eq, %jit3A_246, %eq3A_247 : i32
        %jit3A_249 = arith.constant 1 : i32
        %select_n3A_250 = arith.select %eq3A_248, %jit3A_249, %jit3A_246 : i32
        %rem3A_251 = arith.remsi %add3A_245, %select_n3A_250 : i32
        %ne3A_252 = arith.constant 0 : i32
        %ne3A_253 = arith.cmpi ne, %rem3A_251, %ne3A_252 : i32
        %lt3A_254 = arith.constant 0 : i32
        %lt3A_255 = arith.cmpi slt, %rem3A_251, %lt3A_254 : i32
        %lt3A_256 = arith.constant 0 : i32
        %lt3A_257 = arith.cmpi slt, %select_n3A_250, %lt3A_256 : i32
        %ne3A_258 = arith.xori %lt3A_255, %lt3A_257 : i1
        %and3A_259 = arith.andi %ne3A_258, %ne3A_253 : i1
        %add3A_260 = arith.addi %rem3A_251, %select_n3A_250 : i32
        %select_n3A_261 = arith.select %and3A_259, %add3A_260, %rem3A_251 : i32
        %mul3A_262 = arith.constant 3 : i32
        %mul3A_263 = arith.muli %add3A, %mul3A_262 : i32
        %add3A_264 = arith.constant 2 : i32
        %add3A_265 = arith.addi %mul3A_263, %add3A_264 : i32
        %jit3A_266 = arith.constant 2 : i32
        %div3A_267 = arith.divsi %add3A_265, %jit3A_266 : i32
        %sign3A_268 = arith.constant 0 : i32
        %sign3A_269 = arith.cmpi sgt, %add3A_265, %sign3A_268 : i32
        %sign3A_270 = arith.extui %sign3A_269 : i1 to i32
        %sign3A_271 = arith.constant 0 : i32
        %sign3A_272 = arith.cmpi slt, %add3A_265, %sign3A_271 : i32
        %sign3A_273 = arith.extui %sign3A_272 : i1 to i32
        %sign3A_274 = arith.subi %sign3A_270, %sign3A_273 : i32
        %sign3A_275 = arith.constant 0 : i32
        %sign3A_276 = arith.cmpi sgt, %jit3A_266, %sign3A_275 : i32
        %sign3A_277 = arith.extui %sign3A_276 : i1 to i32
        %sign3A_278 = arith.constant 0 : i32
        %sign3A_279 = arith.cmpi slt, %jit3A_266, %sign3A_278 : i32
        %sign3A_280 = arith.extui %sign3A_279 : i1 to i32
        %sign3A_281 = arith.subi %sign3A_277, %sign3A_280 : i32
        %ne3A_282 = arith.cmpi ne, %sign3A_274, %sign3A_281 : i32
        %rem3A_283 = arith.remsi %add3A_265, %jit3A_266 : i32
        %ne3A_284 = arith.constant 0 : i32
        %ne3A_285 = arith.cmpi ne, %rem3A_283, %ne3A_284 : i32
        %and3A_286 = arith.andi %ne3A_282, %ne3A_285 : i1
        %sub3A_287 = arith.constant 1 : i32
        %sub3A_288 = arith.subi %div3A_267, %sub3A_287 : i32
        %select_n3A_289 = arith.select %and3A_286, %sub3A_288, %div3A_267 : i32
        %add3A_290 = arith.constant 48 : i32
        %add3A_291 = arith.addi %add3A_290, %select_n3A_289 : i32
        %mul3A_292 = arith.constant 3 : i32
        %mul3A_293 = arith.muli %add3A, %mul3A_292 : i32
        %add3A_294 = arith.constant 2 : i32
        %add3A_295 = arith.addi %mul3A_293, %add3A_294 : i32
        %jit3A_296 = arith.constant 2 : i32
        %eq3A_297 = arith.constant 0 : i32
        %eq3A_298 = arith.cmpi eq, %jit3A_296, %eq3A_297 : i32
        %jit3A_299 = arith.constant 1 : i32
        %select_n3A_300 = arith.select %eq3A_298, %jit3A_299, %jit3A_296 : i32
        %rem3A_301 = arith.remsi %add3A_295, %select_n3A_300 : i32
        %ne3A_302 = arith.constant 0 : i32
        %ne3A_303 = arith.cmpi ne, %rem3A_301, %ne3A_302 : i32
        %lt3A_304 = arith.constant 0 : i32
        %lt3A_305 = arith.cmpi slt, %rem3A_301, %lt3A_304 : i32
        %lt3A_306 = arith.constant 0 : i32
        %lt3A_307 = arith.cmpi slt, %select_n3A_300, %lt3A_306 : i32
        %ne3A_308 = arith.xori %lt3A_305, %lt3A_307 : i1
        %and3A_309 = arith.andi %ne3A_308, %ne3A_303 : i1
        %add3A_310 = arith.addi %rem3A_301, %select_n3A_300 : i32
        %select_n3A_311 = arith.select %and3A_309, %add3A_310, %rem3A_301 : i32
        %mul3A_312 = arith.constant 288 : i32
        %mul3A_313 = arith.muli %select_n3A_211, %mul3A_312 : i32
        %mul3A_314 = arith.constant 128 : i32
        %mul3A_315 = arith.muli %select_n3A_122, %mul3A_314 : i32
        %multiple_of3A = tpu.assume_multiple %mul3A_315, 128 : i32
        %dma_start3A = tpu.memref_slice %arg2[%add3A_191, %mul3A_313, %multiple_of3A] : memref<96x576x576xf32, #tpu.memory_space<hbm>> -> memref<1x288x128xf32, #tpu.memory_space<hbm>>
        %dma_start3A_316 = tpu.memref_squeeze %dma_start3A : memref<1x288x128xf32, #tpu.memory_space<hbm>> -> memref<288x128xf32, #tpu.memory_space<hbm>>
        %dma_start3A_317 = tpu.memref_slice %arg2[%add3A_191, %mul3A_313, %multiple_of3A] : memref<96x576x576xf32, #tpu.memory_space<hbm>> -> memref<1x288x128xf32, #tpu.memory_space<hbm>>
        %dma_start3A_318 = tpu.memref_squeeze %dma_start3A_317 : memref<1x288x128xf32, #tpu.memory_space<hbm>> -> memref<288x128xf32, #tpu.memory_space<hbm>>
        tpu.enqueue_dma source(%dma_start3A_318 : memref<288x128xf32, #tpu.memory_space<hbm>>) target(%arg7 : memref<288x128xf32, #tpu.memory_space<vmem>>) target_semaphore(%arg10 : memref<!tpu.dma_semaphore, #tpu.memory_space<semaphore_mem>>)
        %broadcast_in_dim3A_319 = arith.constant 0.000000e+00 : f32
        %broadcast_in_dim3A_320 = vector.broadcast %broadcast_in_dim3A_319 : f32 to vector<16xf32>
        %mul3A_321 = arith.constant 288 : i32
        %mul3A_322 = arith.muli %select_n3A_261, %mul3A_321 : i32
        %mul3A_323 = arith.constant 128 : i32
        %mul3A_324 = arith.muli %select_n3A_122, %mul3A_323 : i32
        %multiple_of3A_325 = tpu.assume_multiple %mul3A_324, 128 : i32
        %dma_start3A_326 = tpu.memref_slice %arg2[%add3A_241, %mul3A_322, %multiple_of3A_325] : memref<96x576x576xf32, #tpu.memory_space<hbm>> -> memref<1x288x128xf32, #tpu.memory_space<hbm>>
        %dma_start3A_327 = tpu.memref_squeeze %dma_start3A_326 : memref<1x288x128xf32, #tpu.memory_space<hbm>> -> memref<288x128xf32, #tpu.memory_space<hbm>>
        %dma_start3A_328 = tpu.memref_slice %arg2[%add3A_241, %mul3A_322, %multiple_of3A_325] : memref<96x576x576xf32, #tpu.memory_space<hbm>> -> memref<1x288x128xf32, #tpu.memory_space<hbm>>
        %dma_start3A_329 = tpu.memref_squeeze %dma_start3A_328 : memref<1x288x128xf32, #tpu.memory_space<hbm>> -> memref<288x128xf32, #tpu.memory_space<hbm>>
        tpu.enqueue_dma source(%dma_start3A_329 : memref<288x128xf32, #tpu.memory_space<hbm>>) target(%arg8 : memref<288x128xf32, #tpu.memory_space<vmem>>) target_semaphore(%arg11 : memref<!tpu.dma_semaphore, #tpu.memory_space<semaphore_mem>>)
        %dma_wait3A = tpu.memref_slice %arg2[%add3A_191, %mul3A_313, %multiple_of3A] : memref<96x576x576xf32, #tpu.memory_space<hbm>> -> memref<1x288x128xf32, #tpu.memory_space<hbm>>
        %dma_wait3A_330 = tpu.memref_squeeze %dma_wait3A : memref<1x288x128xf32, #tpu.memory_space<hbm>> -> memref<288x128xf32, #tpu.memory_space<hbm>>
        %dma_wait3A_331 = tpu.memref_slice %arg2[%add3A_191, %mul3A_313, %multiple_of3A] : memref<96x576x576xf32, #tpu.memory_space<hbm>> -> memref<1x288x128xf32, #tpu.memory_space<hbm>>
        %dma_wait3A_332 = tpu.memref_squeeze %dma_wait3A_331 : memref<1x288x128xf32, #tpu.memory_space<hbm>> -> memref<288x128xf32, #tpu.memory_space<hbm>>
        tpu.wait_dma2 semaphore(%arg10 : memref<!tpu.dma_semaphore, #tpu.memory_space<semaphore_mem>>) src(%dma_wait3A_332 : memref<288x128xf32, #tpu.memory_space<hbm>>) dst(%arg7 : memref<288x128xf32, #tpu.memory_space<vmem>>)
        %broadcast_in_dim3A_333 = arith.constant 0.000000e+00 : f32
        %broadcast_in_dim3A_334 = vector.broadcast %broadcast_in_dim3A_333 : f32 to vector<16xf32>
        %scan3A_335 = arith.constant 0 : i32
        %scan3A_336 = arith.constant 72 : i32
        %scan3A_337 = arith.addi %scan3A_335, %scan3A_336 : i32
        %scan3A_338 = arith.constant 1 : i32
        %scan3A_339:4 = scf.for %scan3A_395 = %scan3A_335 to %scan3A_337 step %scan3A_338 iter_args(%scan3A_396 = %broadcast_in_dim3A_334, %scan3A_397 = %broadcast_in_dim3A_334, %scan3A_398 = %broadcast_in_dim3A_334, %scan3A_399 = %broadcast_in_dim3A_334) -> (vector<16xf32>, vector<16xf32>, vector<16xf32>, vector<16xf32>)  : i32 {
          %mul3A_400 = arith.constant 4 : i32
          %mul3A_401 = arith.muli %scan3A_395, %mul3A_400 : i32
          %get3A_402 = arith.index_cast %mul3A_401 : i32 to index
          %get3A_403 = arith.index_cast %mul3A_127 : i32 to index
          %get3A_404 = tpu.vector_load %arg7[%get3A_402, %get3A_403] {strides = array<i32>} : memref<288x128xf32, #tpu.memory_space<vmem>>, vector<1x16xf32>,
          %get3A_405 = vector.shape_cast %get3A_404 : vector<1x16xf32> to vector<16xf32>
          %add3A_406 = arith.addf %scan3A_396, %get3A_405 : vector<16xf32>
          %add3A_407 = arith.constant 1 : i32
          %add3A_408 = arith.addi %mul3A_401, %add3A_407 : i32
          %get3A_409 = arith.index_cast %add3A_408 : i32 to index
          %get3A_410 = arith.index_cast %mul3A_127 : i32 to index
          %get3A_411 = tpu.vector_load %arg7[%get3A_409, %get3A_410] {strides = array<i32>} : memref<288x128xf32, #tpu.memory_space<vmem>>, vector<1x16xf32>,
          %get3A_412 = vector.shape_cast %get3A_411 : vector<1x16xf32> to vector<16xf32>
          %add3A_413 = arith.addf %scan3A_397, %get3A_412 : vector<16xf32>
          %add3A_414 = arith.constant 2 : i32
          %add3A_415 = arith.addi %mul3A_401, %add3A_414 : i32
          %get3A_416 = arith.index_cast %add3A_415 : i32 to index
          %get3A_417 = arith.index_cast %mul3A_127 : i32 to index
          %get3A_418 = tpu.vector_load %arg7[%get3A_416, %get3A_417] {strides = array<i32>} : memref<288x128xf32, #tpu.memory_space<vmem>>, vector<1x16xf32>,
          %get3A_419 = vector.shape_cast %get3A_418 : vector<1x16xf32> to vector<16xf32>
          %add3A_420 = arith.addf %scan3A_398, %get3A_419 : vector<16xf32>
          %add3A_421 = arith.constant 3 : i32
          %add3A_422 = arith.addi %mul3A_401, %add3A_421 : i32
          %get3A_423 = arith.index_cast %add3A_422 : i32 to index
          %get3A_424 = arith.index_cast %mul3A_127 : i32 to index
          %get3A_425 = tpu.vector_load %arg7[%get3A_423, %get3A_424] {strides = array<i32>} : memref<288x128xf32, #tpu.memory_space<vmem>>, vector<1x16xf32>,
          %get3A_426 = vector.shape_cast %get3A_425 : vector<1x16xf32> to vector<16xf32>
          %add3A_427 = arith.addf %scan3A_399, %get3A_426 : vector<16xf32>
          scf.yield %add3A_406, %add3A_413, %add3A_420, %add3A_427 : vector<16xf32>, vector<16xf32>, vector<16xf32>, vector<16xf32>
        }
        %scan3A_340 = arith.constant 72 : i32
        %add3A_341 = arith.addf %scan3A_339#0, %scan3A_339#1 : vector<16xf32>
        %add3A_342 = arith.addf %scan3A_339#2, %scan3A_339#3 : vector<16xf32>
        %add3A_343 = arith.addf %add3A_341, %add3A_342 : vector<16xf32>
        %add3A_344 = arith.addf %broadcast_in_dim3A_320, %add3A_343 : vector<16xf32>
        %mul3A_345 = arith.constant 288 : i32
        %mul3A_346 = arith.muli %select_n3A_311, %mul3A_345 : i32
        %mul3A_347 = arith.constant 128 : i32
        %mul3A_348 = arith.muli %select_n3A_122, %mul3A_347 : i32
        %multiple_of3A_349 = tpu.assume_multiple %mul3A_348, 128 : i32
        %dma_start3A_350 = tpu.memref_slice %arg2[%add3A_291, %mul3A_346, %multiple_of3A_349] : memref<96x576x576xf32, #tpu.memory_space<hbm>> -> memref<1x288x128xf32, #tpu.memory_space<hbm>>
        %dma_start3A_351 = tpu.memref_squeeze %dma_start3A_350 : memref<1x288x128xf32, #tpu.memory_space<hbm>> -> memref<288x128xf32, #tpu.memory_space<hbm>>
        %dma_start3A_352 = tpu.memref_slice %arg2[%add3A_291, %mul3A_346, %multiple_of3A_349] : memref<96x576x576xf32, #tpu.memory_space<hbm>> -> memref<1x288x128xf32, #tpu.memory_space<hbm>>
        %dma_start3A_353 = tpu.memref_squeeze %dma_start3A_352 : memref<1x288x128xf32, #tpu.memory_space<hbm>> -> memref<288x128xf32, #tpu.memory_space<hbm>>
        tpu.enqueue_dma source(%dma_start3A_353 : memref<288x128xf32, #tpu.memory_space<hbm>>) target(%arg7 : memref<288x128xf32, #tpu.memory_space<vmem>>) target_semaphore(%arg10 : memref<!tpu.dma_semaphore, #tpu.memory_space<semaphore_mem>>)
        %dma_wait3A_354 = tpu.memref_slice %arg2[%add3A_241, %mul3A_322, %multiple_of3A_325] : memref<96x576x576xf32, #tpu.memory_space<hbm>> -> memref<1x288x128xf32, #tpu.memory_space<hbm>>
        %dma_wait3A_355 = tpu.memref_squeeze %dma_wait3A_354 : memref<1x288x128xf32, #tpu.memory_space<hbm>> -> memref<288x128xf32, #tpu.memory_space<hbm>>
        %dma_wait3A_356 = tpu.memref_slice %arg2[%add3A_241, %mul3A_322, %multiple_of3A_325] : memref<96x576x576xf32, #tpu.memory_space<hbm>> -> memref<1x288x128xf32, #tpu.memory_space<hbm>>
        %dma_wait3A_357 = tpu.memref_squeeze %dma_wait3A_356 : memref<1x288x128xf32, #tpu.memory_space<hbm>> -> memref<288x128xf32, #tpu.memory_space<hbm>>
        tpu.wait_dma2 semaphore(%arg11 : memref<!tpu.dma_semaphore, #tpu.memory_space<semaphore_mem>>) src(%dma_wait3A_357 : memref<288x128xf32, #tpu.memory_space<hbm>>) dst(%arg8 : memref<288x128xf32, #tpu.memory_space<vmem>>)
        %broadcast_in_dim3A_358 = arith.constant 0.000000e+00 : f32
        %broadcast_in_dim3A_359 = vector.broadcast %broadcast_in_dim3A_358 : f32 to vector<16xf32>
        %scan3A_360 = arith.constant 0 : i32
        %scan3A_361 = arith.constant 72 : i32
        %scan3A_362 = arith.addi %scan3A_360, %scan3A_361 : i32
        %scan3A_363 = arith.constant 1 : i32
        %scan3A_364:4 = scf.for %scan3A_395 = %scan3A_360 to %scan3A_362 step %scan3A_363 iter_args(%scan3A_396 = %broadcast_in_dim3A_359, %scan3A_397 = %broadcast_in_dim3A_359, %scan3A_398 = %broadcast_in_dim3A_359, %scan3A_399 = %broadcast_in_dim3A_359) -> (vector<16xf32>, vector<16xf32>, vector<16xf32>, vector<16xf32>)  : i32 {
          %mul3A_400 = arith.constant 4 : i32
          %mul3A_401 = arith.muli %scan3A_395, %mul3A_400 : i32
          %get3A_402 = arith.index_cast %mul3A_401 : i32 to index
          %get3A_403 = arith.index_cast %mul3A_127 : i32 to index
          %get3A_404 = tpu.vector_load %arg8[%get3A_402, %get3A_403] {strides = array<i32>} : memref<288x128xf32, #tpu.memory_space<vmem>>, vector<1x16xf32>,
          %get3A_405 = vector.shape_cast %get3A_404 : vector<1x16xf32> to vector<16xf32>
          %add3A_406 = arith.addf %scan3A_396, %get3A_405 : vector<16xf32>
          %add3A_407 = arith.constant 1 : i32
          %add3A_408 = arith.addi %mul3A_401, %add3A_407 : i32
          %get3A_409 = arith.index_cast %add3A_408 : i32 to index
          %get3A_410 = arith.index_cast %mul3A_127 : i32 to index
          %get3A_411 = tpu.vector_load %arg8[%get3A_409, %get3A_410] {strides = array<i32>} : memref<288x128xf32, #tpu.memory_space<vmem>>, vector<1x16xf32>,
          %get3A_412 = vector.shape_cast %get3A_411 : vector<1x16xf32> to vector<16xf32>
          %add3A_413 = arith.addf %scan3A_397, %get3A_412 : vector<16xf32>
          %add3A_414 = arith.constant 2 : i32
          %add3A_415 = arith.addi %mul3A_401, %add3A_414 : i32
          %get3A_416 = arith.index_cast %add3A_415 : i32 to index
          %get3A_417 = arith.index_cast %mul3A_127 : i32 to index
          %get3A_418 = tpu.vector_load %arg8[%get3A_416, %get3A_417] {strides = array<i32>} : memref<288x128xf32, #tpu.memory_space<vmem>>, vector<1x16xf32>,
          %get3A_419 = vector.shape_cast %get3A_418 : vector<1x16xf32> to vector<16xf32>
          %add3A_420 = arith.addf %scan3A_398, %get3A_419 : vector<16xf32>
          %add3A_421 = arith.constant 3 : i32
          %add3A_422 = arith.addi %mul3A_401, %add3A_421 : i32
          %get3A_423 = arith.index_cast %add3A_422 : i32 to index
          %get3A_424 = arith.index_cast %mul3A_127 : i32 to index
          %get3A_425 = tpu.vector_load %arg8[%get3A_423, %get3A_424] {strides = array<i32>} : memref<288x128xf32, #tpu.memory_space<vmem>>, vector<1x16xf32>,
          %get3A_426 = vector.shape_cast %get3A_425 : vector<1x16xf32> to vector<16xf32>
          %add3A_427 = arith.addf %scan3A_399, %get3A_426 : vector<16xf32>
          scf.yield %add3A_406, %add3A_413, %add3A_420, %add3A_427 : vector<16xf32>, vector<16xf32>, vector<16xf32>, vector<16xf32>
        }
        %scan3A_365 = arith.constant 72 : i32
        %add3A_366 = arith.addf %scan3A_364#0, %scan3A_364#1 : vector<16xf32>
        %add3A_367 = arith.addf %scan3A_364#2, %scan3A_364#3 : vector<16xf32>
        %add3A_368 = arith.addf %add3A_366, %add3A_367 : vector<16xf32>
        %add3A_369 = arith.addf %add3A_344, %add3A_368 : vector<16xf32>
        %dma_wait3A_370 = tpu.memref_slice %arg2[%add3A_291, %mul3A_346, %multiple_of3A_349] : memref<96x576x576xf32, #tpu.memory_space<hbm>> -> memref<1x288x128xf32, #tpu.memory_space<hbm>>
        %dma_wait3A_371 = tpu.memref_squeeze %dma_wait3A_370 : memref<1x288x128xf32, #tpu.memory_space<hbm>> -> memref<288x128xf32, #tpu.memory_space<hbm>>
        %dma_wait3A_372 = tpu.memref_slice %arg2[%add3A_291, %mul3A_346, %multiple_of3A_349] : memref<96x576x576xf32, #tpu.memory_space<hbm>> -> memref<1x288x128xf32, #tpu.memory_space<hbm>>
        %dma_wait3A_373 = tpu.memref_squeeze %dma_wait3A_372 : memref<1x288x128xf32, #tpu.memory_space<hbm>> -> memref<288x128xf32, #tpu.memory_space<hbm>>
        tpu.wait_dma2 semaphore(%arg10 : memref<!tpu.dma_semaphore, #tpu.memory_space<semaphore_mem>>) src(%dma_wait3A_373 : memref<288x128xf32, #tpu.memory_space<hbm>>) dst(%arg7 : memref<288x128xf32, #tpu.memory_space<vmem>>)
        %broadcast_in_dim3A_374 = arith.constant 0.000000e+00 : f32
        %broadcast_in_dim3A_375 = vector.broadcast %broadcast_in_dim3A_374 : f32 to vector<16xf32>
        %scan3A_376 = arith.constant 0 : i32
        %scan3A_377 = arith.constant 72 : i32
        %scan3A_378 = arith.addi %scan3A_376, %scan3A_377 : i32
        %scan3A_379 = arith.constant 1 : i32
        %scan3A_380:4 = scf.for %scan3A_395 = %scan3A_376 to %scan3A_378 step %scan3A_379 iter_args(%scan3A_396 = %broadcast_in_dim3A_375, %scan3A_397 = %broadcast_in_dim3A_375, %scan3A_398 = %broadcast_in_dim3A_375, %scan3A_399 = %broadcast_in_dim3A_375) -> (vector<16xf32>, vector<16xf32>, vector<16xf32>, vector<16xf32>)  : i32 {
          %mul3A_400 = arith.constant 4 : i32
          %mul3A_401 = arith.muli %scan3A_395, %mul3A_400 : i32
          %get3A_402 = arith.index_cast %mul3A_401 : i32 to index
          %get3A_403 = arith.index_cast %mul3A_127 : i32 to index
          %get3A_404 = tpu.vector_load %arg7[%get3A_402, %get3A_403] {strides = array<i32>} : memref<288x128xf32, #tpu.memory_space<vmem>>, vector<1x16xf32>,
          %get3A_405 = vector.shape_cast %get3A_404 : vector<1x16xf32> to vector<16xf32>
          %add3A_406 = arith.addf %scan3A_396, %get3A_405 : vector<16xf32>
          %add3A_407 = arith.constant 1 : i32
          %add3A_408 = arith.addi %mul3A_401, %add3A_407 : i32
          %get3A_409 = arith.index_cast %add3A_408 : i32 to index
          %get3A_410 = arith.index_cast %mul3A_127 : i32 to index
          %get3A_411 = tpu.vector_load %arg7[%get3A_409, %get3A_410] {strides = array<i32>} : memref<288x128xf32, #tpu.memory_space<vmem>>, vector<1x16xf32>,
          %get3A_412 = vector.shape_cast %get3A_411 : vector<1x16xf32> to vector<16xf32>
          %add3A_413 = arith.addf %scan3A_397, %get3A_412 : vector<16xf32>
          %add3A_414 = arith.constant 2 : i32
          %add3A_415 = arith.addi %mul3A_401, %add3A_414 : i32
          %get3A_416 = arith.index_cast %add3A_415 : i32 to index
          %get3A_417 = arith.index_cast %mul3A_127 : i32 to index
          %get3A_418 = tpu.vector_load %arg7[%get3A_416, %get3A_417] {strides = array<i32>} : memref<288x128xf32, #tpu.memory_space<vmem>>, vector<1x16xf32>,
          %get3A_419 = vector.shape_cast %get3A_418 : vector<1x16xf32> to vector<16xf32>
          %add3A_420 = arith.addf %scan3A_398, %get3A_419 : vector<16xf32>
          %add3A_421 = arith.constant 3 : i32
          %add3A_422 = arith.addi %mul3A_401, %add3A_421 : i32
          %get3A_423 = arith.index_cast %add3A_422 : i32 to index
          %get3A_424 = arith.index_cast %mul3A_127 : i32 to index
          %get3A_425 = tpu.vector_load %arg7[%get3A_423, %get3A_424] {strides = array<i32>} : memref<288x128xf32, #tpu.memory_space<vmem>>, vector<1x16xf32>,
          %get3A_426 = vector.shape_cast %get3A_425 : vector<1x16xf32> to vector<16xf32>
          %add3A_427 = arith.addf %scan3A_399, %get3A_426 : vector<16xf32>
          scf.yield %add3A_406, %add3A_413, %add3A_420, %add3A_427 : vector<16xf32>, vector<16xf32>, vector<16xf32>, vector<16xf32>
        }
        %scan3A_381 = arith.constant 72 : i32
        %add3A_382 = arith.addf %scan3A_380#0, %scan3A_380#1 : vector<16xf32>
        %add3A_383 = arith.addf %scan3A_380#2, %scan3A_380#3 : vector<16xf32>
        %add3A_384 = arith.addf %add3A_382, %add3A_383 : vector<16xf32>
        %add3A_385 = arith.addf %add3A_369, %add3A_384 : vector<16xf32>
        %get3A_386 = arith.constant 0 : index
        %get3A_387 = tpu.vector_load %arg9[%get3A_386] {strides = array<i32>} : memref<16xf32, #tpu.memory_space<vmem>>, vector<16xf32>,
        %get3A_388 = vector.shape_cast %get3A_387 : vector<16xf32> to vector<16xf32>
        %mul3A_389 = arith.mulf %add3A_385, %select_n3A : vector<16xf32>
        %add3A_390 = arith.addf %get3A_388, %mul3A_389 : vector<16xf32>
        %swap3A_391 = arith.constant 0 : index
        %swap3A_392 = tpu.vector_load %arg9[%swap3A_391] {strides = array<i32>} : memref<16xf32, #tpu.memory_space<vmem>>, vector<16xf32>,
        %swap3A_393 = vector.shape_cast %swap3A_392 : vector<16xf32> to vector<16xf32>
        %swap3A_394 = vector.shape_cast %add3A_390 : vector<16xf32> to vector<16xf32>
        tpu.vector_store %arg9[%swap3A_391], %swap3A_394 {strides = array<i32>} : memref<16xf32, #tpu.memory_space<vmem>>, vector<16xf32>,
      } else {
      }
      %not3A = arith.constant true
      %not3A_133 = arith.xori %eq3A_128, %not3A : i1
      %and3A_134 = arith.andi %or3A, %not3A_133 : i1
      %convert_element_type3A_135 = arith.extui %and3A_134 : i1 to i32
      %cond3A_136 = arith.constant 0 : i32
      %cond3A_137 = arith.cmpi ne, %convert_element_type3A_135, %cond3A_136 : i32
      scf.if %cond3A_137 {
        %mul3A_162 = arith.constant 3 : i32
        %mul3A_163 = arith.muli %add3A, %mul3A_162 : i32
        %add3A_164 = arith.constant 0 : i32
        %add3A_165 = arith.addi %mul3A_163, %add3A_164 : i32
        %mul3A_166 = arith.constant 3 : i32
        %mul3A_167 = arith.muli %add3A, %mul3A_166 : i32
        %add3A_168 = arith.constant 0 : i32
        %add3A_169 = arith.addi %mul3A_167, %add3A_168 : i32
        %mul3A_170 = arith.constant 3 : i32
        %mul3A_171 = arith.muli %add3A, %mul3A_170 : i32
        %add3A_172 = arith.constant 1 : i32
        %add3A_173 = arith.addi %mul3A_171, %add3A_172 : i32
        %mul3A_174 = arith.constant 3 : i32
        %mul3A_175 = arith.muli %add3A, %mul3A_174 : i32
        %add3A_176 = arith.constant 1 : i32
        %add3A_177 = arith.addi %mul3A_175, %add3A_176 : i32
        %mul3A_178 = arith.constant 3 : i32
        %mul3A_179 = arith.muli %add3A, %mul3A_178 : i32
        %add3A_180 = arith.constant 2 : i32
        %add3A_181 = arith.addi %mul3A_179, %add3A_180 : i32
        %mul3A_182 = arith.constant 3 : i32
        %mul3A_183 = arith.muli %add3A, %mul3A_182 : i32
        %add3A_184 = arith.constant 2 : i32
        %add3A_185 = arith.addi %mul3A_183, %add3A_184 : i32
        %mul3A_186 = arith.constant 128 : i32
        %mul3A_187 = arith.muli %select_n3A_122, %mul3A_186 : i32
        %multiple_of3A = tpu.assume_multiple %mul3A_187, 128 : i32
        %dma_start3A = arith.constant 0 : i32
        %dma_start3A_188 = tpu.memref_slice %arg2[%add3A_165, %dma_start3A, %multiple_of3A] : memref<96x576x576xf32, #tpu.memory_space<hbm>> -> memref<1x288x128xf32, #tpu.memory_space<hbm>>
        %dma_start3A_189 = tpu.memref_squeeze %dma_start3A_188 : memref<1x288x128xf32, #tpu.memory_space<hbm>> -> memref<288x128xf32, #tpu.memory_space<hbm>>
        %dma_start3A_190 = arith.constant 0 : i32
        %dma_start3A_191 = tpu.memref_slice %arg2[%add3A_165, %dma_start3A_190, %multiple_of3A] : memref<96x576x576xf32, #tpu.memory_space<hbm>> -> memref<1x288x128xf32, #tpu.memory_space<hbm>>
        %dma_start3A_192 = tpu.memref_squeeze %dma_start3A_191 : memref<1x288x128xf32, #tpu.memory_space<hbm>> -> memref<288x128xf32, #tpu.memory_space<hbm>>
        tpu.enqueue_dma source(%dma_start3A_192 : memref<288x128xf32, #tpu.memory_space<hbm>>) target(%arg7 : memref<288x128xf32, #tpu.memory_space<vmem>>) target_semaphore(%arg10 : memref<!tpu.dma_semaphore, #tpu.memory_space<semaphore_mem>>)
        %broadcast_in_dim3A_193 = arith.constant 0.000000e+00 : f32
        %broadcast_in_dim3A_194 = vector.broadcast %broadcast_in_dim3A_193 : f32 to vector<16xf32>
        %mul3A_195 = arith.constant 128 : i32
        %mul3A_196 = arith.muli %select_n3A_122, %mul3A_195 : i32
        %multiple_of3A_197 = tpu.assume_multiple %mul3A_196, 128 : i32
        %dma_start3A_198 = arith.constant 288 : i32
        %dma_start3A_199 = tpu.memref_slice %arg2[%add3A_169, %dma_start3A_198, %multiple_of3A_197] : memref<96x576x576xf32, #tpu.memory_space<hbm>> -> memref<1x288x128xf32, #tpu.memory_space<hbm>>
        %dma_start3A_200 = tpu.memref_squeeze %dma_start3A_199 : memref<1x288x128xf32, #tpu.memory_space<hbm>> -> memref<288x128xf32, #tpu.memory_space<hbm>>
        %dma_start3A_201 = arith.constant 288 : i32
        %dma_start3A_202 = tpu.memref_slice %arg2[%add3A_169, %dma_start3A_201, %multiple_of3A_197] : memref<96x576x576xf32, #tpu.memory_space<hbm>> -> memref<1x288x128xf32, #tpu.memory_space<hbm>>
        %dma_start3A_203 = tpu.memref_squeeze %dma_start3A_202 : memref<1x288x128xf32, #tpu.memory_space<hbm>> -> memref<288x128xf32, #tpu.memory_space<hbm>>
        tpu.enqueue_dma source(%dma_start3A_203 : memref<288x128xf32, #tpu.memory_space<hbm>>) target(%arg8 : memref<288x128xf32, #tpu.memory_space<vmem>>) target_semaphore(%arg11 : memref<!tpu.dma_semaphore, #tpu.memory_space<semaphore_mem>>)
        %dma_wait3A = arith.constant 0 : i32
        %dma_wait3A_204 = tpu.memref_slice %arg2[%add3A_165, %dma_wait3A, %multiple_of3A] : memref<96x576x576xf32, #tpu.memory_space<hbm>> -> memref<1x288x128xf32, #tpu.memory_space<hbm>>
        %dma_wait3A_205 = tpu.memref_squeeze %dma_wait3A_204 : memref<1x288x128xf32, #tpu.memory_space<hbm>> -> memref<288x128xf32, #tpu.memory_space<hbm>>
        %dma_wait3A_206 = arith.constant 0 : i32
        %dma_wait3A_207 = tpu.memref_slice %arg2[%add3A_165, %dma_wait3A_206, %multiple_of3A] : memref<96x576x576xf32, #tpu.memory_space<hbm>> -> memref<1x288x128xf32, #tpu.memory_space<hbm>>
        %dma_wait3A_208 = tpu.memref_squeeze %dma_wait3A_207 : memref<1x288x128xf32, #tpu.memory_space<hbm>> -> memref<288x128xf32, #tpu.memory_space<hbm>>
        tpu.wait_dma2 semaphore(%arg10 : memref<!tpu.dma_semaphore, #tpu.memory_space<semaphore_mem>>) src(%dma_wait3A_208 : memref<288x128xf32, #tpu.memory_space<hbm>>) dst(%arg7 : memref<288x128xf32, #tpu.memory_space<vmem>>)
        %broadcast_in_dim3A_209 = arith.constant 0.000000e+00 : f32
        %broadcast_in_dim3A_210 = vector.broadcast %broadcast_in_dim3A_209 : f32 to vector<16xf32>
        %scan3A_211 = arith.constant 0 : i32
        %scan3A_212 = arith.constant 72 : i32
        %scan3A_213 = arith.addi %scan3A_211, %scan3A_212 : i32
        %scan3A_214 = arith.constant 1 : i32
        %scan3A_215:4 = scf.for %scan3A_356 = %scan3A_211 to %scan3A_213 step %scan3A_214 iter_args(%scan3A_357 = %broadcast_in_dim3A_210, %scan3A_358 = %broadcast_in_dim3A_210, %scan3A_359 = %broadcast_in_dim3A_210, %scan3A_360 = %broadcast_in_dim3A_210) -> (vector<16xf32>, vector<16xf32>, vector<16xf32>, vector<16xf32>)  : i32 {
          %mul3A_361 = arith.constant 4 : i32
          %mul3A_362 = arith.muli %scan3A_356, %mul3A_361 : i32
          %get3A_363 = arith.index_cast %mul3A_362 : i32 to index
          %get3A_364 = arith.index_cast %mul3A_127 : i32 to index
          %get3A_365 = tpu.vector_load %arg7[%get3A_363, %get3A_364] {strides = array<i32>} : memref<288x128xf32, #tpu.memory_space<vmem>>, vector<1x16xf32>,
          %get3A_366 = vector.shape_cast %get3A_365 : vector<1x16xf32> to vector<16xf32>
          %add3A_367 = arith.addf %scan3A_357, %get3A_366 : vector<16xf32>
          %add3A_368 = arith.constant 1 : i32
          %add3A_369 = arith.addi %mul3A_362, %add3A_368 : i32
          %get3A_370 = arith.index_cast %add3A_369 : i32 to index
          %get3A_371 = arith.index_cast %mul3A_127 : i32 to index
          %get3A_372 = tpu.vector_load %arg7[%get3A_370, %get3A_371] {strides = array<i32>} : memref<288x128xf32, #tpu.memory_space<vmem>>, vector<1x16xf32>,
          %get3A_373 = vector.shape_cast %get3A_372 : vector<1x16xf32> to vector<16xf32>
          %add3A_374 = arith.addf %scan3A_358, %get3A_373 : vector<16xf32>
          %add3A_375 = arith.constant 2 : i32
          %add3A_376 = arith.addi %mul3A_362, %add3A_375 : i32
          %get3A_377 = arith.index_cast %add3A_376 : i32 to index
          %get3A_378 = arith.index_cast %mul3A_127 : i32 to index
          %get3A_379 = tpu.vector_load %arg7[%get3A_377, %get3A_378] {strides = array<i32>} : memref<288x128xf32, #tpu.memory_space<vmem>>, vector<1x16xf32>,
          %get3A_380 = vector.shape_cast %get3A_379 : vector<1x16xf32> to vector<16xf32>
          %add3A_381 = arith.addf %scan3A_359, %get3A_380 : vector<16xf32>
          %add3A_382 = arith.constant 3 : i32
          %add3A_383 = arith.addi %mul3A_362, %add3A_382 : i32
          %get3A_384 = arith.index_cast %add3A_383 : i32 to index
          %get3A_385 = arith.index_cast %mul3A_127 : i32 to index
          %get3A_386 = tpu.vector_load %arg7[%get3A_384, %get3A_385] {strides = array<i32>} : memref<288x128xf32, #tpu.memory_space<vmem>>, vector<1x16xf32>,
          %get3A_387 = vector.shape_cast %get3A_386 : vector<1x16xf32> to vector<16xf32>
          %add3A_388 = arith.addf %scan3A_360, %get3A_387 : vector<16xf32>
          scf.yield %add3A_367, %add3A_374, %add3A_381, %add3A_388 : vector<16xf32>, vector<16xf32>, vector<16xf32>, vector<16xf32>
        }
        %scan3A_216 = arith.constant 72 : i32
        %add3A_217 = arith.addf %scan3A_215#0, %scan3A_215#1 : vector<16xf32>
        %add3A_218 = arith.addf %scan3A_215#2, %scan3A_215#3 : vector<16xf32>
        %add3A_219 = arith.addf %add3A_217, %add3A_218 : vector<16xf32>
        %add3A_220 = arith.addf %broadcast_in_dim3A_194, %add3A_219 : vector<16xf32>
        %mul3A_221 = arith.constant 128 : i32
        %mul3A_222 = arith.muli %select_n3A_122, %mul3A_221 : i32
        %multiple_of3A_223 = tpu.assume_multiple %mul3A_222, 128 : i32
        %dma_start3A_224 = arith.constant 0 : i32
        %dma_start3A_225 = tpu.memref_slice %arg2[%add3A_173, %dma_start3A_224, %multiple_of3A_223] : memref<96x576x576xf32, #tpu.memory_space<hbm>> -> memref<1x288x128xf32, #tpu.memory_space<hbm>>
        %dma_start3A_226 = tpu.memref_squeeze %dma_start3A_225 : memref<1x288x128xf32, #tpu.memory_space<hbm>> -> memref<288x128xf32, #tpu.memory_space<hbm>>
        %dma_start3A_227 = arith.constant 0 : i32
        %dma_start3A_228 = tpu.memref_slice %arg2[%add3A_173, %dma_start3A_227, %multiple_of3A_223] : memref<96x576x576xf32, #tpu.memory_space<hbm>> -> memref<1x288x128xf32, #tpu.memory_space<hbm>>
        %dma_start3A_229 = tpu.memref_squeeze %dma_start3A_228 : memref<1x288x128xf32, #tpu.memory_space<hbm>> -> memref<288x128xf32, #tpu.memory_space<hbm>>
        tpu.enqueue_dma source(%dma_start3A_229 : memref<288x128xf32, #tpu.memory_space<hbm>>) target(%arg7 : memref<288x128xf32, #tpu.memory_space<vmem>>) target_semaphore(%arg10 : memref<!tpu.dma_semaphore, #tpu.memory_space<semaphore_mem>>)
        %dma_wait3A_230 = arith.constant 288 : i32
        %dma_wait3A_231 = tpu.memref_slice %arg2[%add3A_169, %dma_wait3A_230, %multiple_of3A_197] : memref<96x576x576xf32, #tpu.memory_space<hbm>> -> memref<1x288x128xf32, #tpu.memory_space<hbm>>
        %dma_wait3A_232 = tpu.memref_squeeze %dma_wait3A_231 : memref<1x288x128xf32, #tpu.memory_space<hbm>> -> memref<288x128xf32, #tpu.memory_space<hbm>>
        %dma_wait3A_233 = arith.constant 288 : i32
        %dma_wait3A_234 = tpu.memref_slice %arg2[%add3A_169, %dma_wait3A_233, %multiple_of3A_197] : memref<96x576x576xf32, #tpu.memory_space<hbm>> -> memref<1x288x128xf32, #tpu.memory_space<hbm>>
        %dma_wait3A_235 = tpu.memref_squeeze %dma_wait3A_234 : memref<1x288x128xf32, #tpu.memory_space<hbm>> -> memref<288x128xf32, #tpu.memory_space<hbm>>
        tpu.wait_dma2 semaphore(%arg11 : memref<!tpu.dma_semaphore, #tpu.memory_space<semaphore_mem>>) src(%dma_wait3A_235 : memref<288x128xf32, #tpu.memory_space<hbm>>) dst(%arg8 : memref<288x128xf32, #tpu.memory_space<vmem>>)
        %broadcast_in_dim3A_236 = arith.constant 0.000000e+00 : f32
        %broadcast_in_dim3A_237 = vector.broadcast %broadcast_in_dim3A_236 : f32 to vector<16xf32>
        %scan3A_238 = arith.constant 0 : i32
        %scan3A_239 = arith.constant 72 : i32
        %scan3A_240 = arith.addi %scan3A_238, %scan3A_239 : i32
        %scan3A_241 = arith.constant 1 : i32
        %scan3A_242:4 = scf.for %scan3A_356 = %scan3A_238 to %scan3A_240 step %scan3A_241 iter_args(%scan3A_357 = %broadcast_in_dim3A_237, %scan3A_358 = %broadcast_in_dim3A_237, %scan3A_359 = %broadcast_in_dim3A_237, %scan3A_360 = %broadcast_in_dim3A_237) -> (vector<16xf32>, vector<16xf32>, vector<16xf32>, vector<16xf32>)  : i32 {
          %mul3A_361 = arith.constant 4 : i32
          %mul3A_362 = arith.muli %scan3A_356, %mul3A_361 : i32
          %get3A_363 = arith.index_cast %mul3A_362 : i32 to index
          %get3A_364 = arith.index_cast %mul3A_127 : i32 to index
          %get3A_365 = tpu.vector_load %arg8[%get3A_363, %get3A_364] {strides = array<i32>} : memref<288x128xf32, #tpu.memory_space<vmem>>, vector<1x16xf32>,
          %get3A_366 = vector.shape_cast %get3A_365 : vector<1x16xf32> to vector<16xf32>
          %add3A_367 = arith.addf %scan3A_357, %get3A_366 : vector<16xf32>
          %add3A_368 = arith.constant 1 : i32
          %add3A_369 = arith.addi %mul3A_362, %add3A_368 : i32
          %get3A_370 = arith.index_cast %add3A_369 : i32 to index
          %get3A_371 = arith.index_cast %mul3A_127 : i32 to index
          %get3A_372 = tpu.vector_load %arg8[%get3A_370, %get3A_371] {strides = array<i32>} : memref<288x128xf32, #tpu.memory_space<vmem>>, vector<1x16xf32>,
          %get3A_373 = vector.shape_cast %get3A_372 : vector<1x16xf32> to vector<16xf32>
          %add3A_374 = arith.addf %scan3A_358, %get3A_373 : vector<16xf32>
          %add3A_375 = arith.constant 2 : i32
          %add3A_376 = arith.addi %mul3A_362, %add3A_375 : i32
          %get3A_377 = arith.index_cast %add3A_376 : i32 to index
          %get3A_378 = arith.index_cast %mul3A_127 : i32 to index
          %get3A_379 = tpu.vector_load %arg8[%get3A_377, %get3A_378] {strides = array<i32>} : memref<288x128xf32, #tpu.memory_space<vmem>>, vector<1x16xf32>,
          %get3A_380 = vector.shape_cast %get3A_379 : vector<1x16xf32> to vector<16xf32>
          %add3A_381 = arith.addf %scan3A_359, %get3A_380 : vector<16xf32>
          %add3A_382 = arith.constant 3 : i32
          %add3A_383 = arith.addi %mul3A_362, %add3A_382 : i32
          %get3A_384 = arith.index_cast %add3A_383 : i32 to index
          %get3A_385 = arith.index_cast %mul3A_127 : i32 to index
          %get3A_386 = tpu.vector_load %arg8[%get3A_384, %get3A_385] {strides = array<i32>} : memref<288x128xf32, #tpu.memory_space<vmem>>, vector<1x16xf32>,
          %get3A_387 = vector.shape_cast %get3A_386 : vector<1x16xf32> to vector<16xf32>
          %add3A_388 = arith.addf %scan3A_360, %get3A_387 : vector<16xf32>
          scf.yield %add3A_367, %add3A_374, %add3A_381, %add3A_388 : vector<16xf32>, vector<16xf32>, vector<16xf32>, vector<16xf32>
        }
        %scan3A_243 = arith.constant 72 : i32
        %add3A_244 = arith.addf %scan3A_242#0, %scan3A_242#1 : vector<16xf32>
        %add3A_245 = arith.addf %scan3A_242#2, %scan3A_242#3 : vector<16xf32>
        %add3A_246 = arith.addf %add3A_244, %add3A_245 : vector<16xf32>
        %add3A_247 = arith.addf %add3A_220, %add3A_246 : vector<16xf32>
        %mul3A_248 = arith.constant 128 : i32
        %mul3A_249 = arith.muli %select_n3A_122, %mul3A_248 : i32
        %multiple_of3A_250 = tpu.assume_multiple %mul3A_249, 128 : i32
        %dma_start3A_251 = arith.constant 288 : i32
        %dma_start3A_252 = tpu.memref_slice %arg2[%add3A_177, %dma_start3A_251, %multiple_of3A_250] : memref<96x576x576xf32, #tpu.memory_space<hbm>> -> memref<1x288x128xf32, #tpu.memory_space<hbm>>
        %dma_start3A_253 = tpu.memref_squeeze %dma_start3A_252 : memref<1x288x128xf32, #tpu.memory_space<hbm>> -> memref<288x128xf32, #tpu.memory_space<hbm>>
        %dma_start3A_254 = arith.constant 288 : i32
        %dma_start3A_255 = tpu.memref_slice %arg2[%add3A_177, %dma_start3A_254, %multiple_of3A_250] : memref<96x576x576xf32, #tpu.memory_space<hbm>> -> memref<1x288x128xf32, #tpu.memory_space<hbm>>
        %dma_start3A_256 = tpu.memref_squeeze %dma_start3A_255 : memref<1x288x128xf32, #tpu.memory_space<hbm>> -> memref<288x128xf32, #tpu.memory_space<hbm>>
        tpu.enqueue_dma source(%dma_start3A_256 : memref<288x128xf32, #tpu.memory_space<hbm>>) target(%arg8 : memref<288x128xf32, #tpu.memory_space<vmem>>) target_semaphore(%arg11 : memref<!tpu.dma_semaphore, #tpu.memory_space<semaphore_mem>>)
        %dma_wait3A_257 = arith.constant 0 : i32
        %dma_wait3A_258 = tpu.memref_slice %arg2[%add3A_173, %dma_wait3A_257, %multiple_of3A_223] : memref<96x576x576xf32, #tpu.memory_space<hbm>> -> memref<1x288x128xf32, #tpu.memory_space<hbm>>
        %dma_wait3A_259 = tpu.memref_squeeze %dma_wait3A_258 : memref<1x288x128xf32, #tpu.memory_space<hbm>> -> memref<288x128xf32, #tpu.memory_space<hbm>>
        %dma_wait3A_260 = arith.constant 0 : i32
        %dma_wait3A_261 = tpu.memref_slice %arg2[%add3A_173, %dma_wait3A_260, %multiple_of3A_223] : memref<96x576x576xf32, #tpu.memory_space<hbm>> -> memref<1x288x128xf32, #tpu.memory_space<hbm>>
        %dma_wait3A_262 = tpu.memref_squeeze %dma_wait3A_261 : memref<1x288x128xf32, #tpu.memory_space<hbm>> -> memref<288x128xf32, #tpu.memory_space<hbm>>
        tpu.wait_dma2 semaphore(%arg10 : memref<!tpu.dma_semaphore, #tpu.memory_space<semaphore_mem>>) src(%dma_wait3A_262 : memref<288x128xf32, #tpu.memory_space<hbm>>) dst(%arg7 : memref<288x128xf32, #tpu.memory_space<vmem>>)
        %broadcast_in_dim3A_263 = arith.constant 0.000000e+00 : f32
        %broadcast_in_dim3A_264 = vector.broadcast %broadcast_in_dim3A_263 : f32 to vector<16xf32>
        %scan3A_265 = arith.constant 0 : i32
        %scan3A_266 = arith.constant 72 : i32
        %scan3A_267 = arith.addi %scan3A_265, %scan3A_266 : i32
        %scan3A_268 = arith.constant 1 : i32
        %scan3A_269:4 = scf.for %scan3A_356 = %scan3A_265 to %scan3A_267 step %scan3A_268 iter_args(%scan3A_357 = %broadcast_in_dim3A_264, %scan3A_358 = %broadcast_in_dim3A_264, %scan3A_359 = %broadcast_in_dim3A_264, %scan3A_360 = %broadcast_in_dim3A_264) -> (vector<16xf32>, vector<16xf32>, vector<16xf32>, vector<16xf32>)  : i32 {
          %mul3A_361 = arith.constant 4 : i32
          %mul3A_362 = arith.muli %scan3A_356, %mul3A_361 : i32
          %get3A_363 = arith.index_cast %mul3A_362 : i32 to index
          %get3A_364 = arith.index_cast %mul3A_127 : i32 to index
          %get3A_365 = tpu.vector_load %arg7[%get3A_363, %get3A_364] {strides = array<i32>} : memref<288x128xf32, #tpu.memory_space<vmem>>, vector<1x16xf32>,
          %get3A_366 = vector.shape_cast %get3A_365 : vector<1x16xf32> to vector<16xf32>
          %add3A_367 = arith.addf %scan3A_357, %get3A_366 : vector<16xf32>
          %add3A_368 = arith.constant 1 : i32
          %add3A_369 = arith.addi %mul3A_362, %add3A_368 : i32
          %get3A_370 = arith.index_cast %add3A_369 : i32 to index
          %get3A_371 = arith.index_cast %mul3A_127 : i32 to index
          %get3A_372 = tpu.vector_load %arg7[%get3A_370, %get3A_371] {strides = array<i32>} : memref<288x128xf32, #tpu.memory_space<vmem>>, vector<1x16xf32>,
          %get3A_373 = vector.shape_cast %get3A_372 : vector<1x16xf32> to vector<16xf32>
          %add3A_374 = arith.addf %scan3A_358, %get3A_373 : vector<16xf32>
          %add3A_375 = arith.constant 2 : i32
          %add3A_376 = arith.addi %mul3A_362, %add3A_375 : i32
          %get3A_377 = arith.index_cast %add3A_376 : i32 to index
          %get3A_378 = arith.index_cast %mul3A_127 : i32 to index
          %get3A_379 = tpu.vector_load %arg7[%get3A_377, %get3A_378] {strides = array<i32>} : memref<288x128xf32, #tpu.memory_space<vmem>>, vector<1x16xf32>,
          %get3A_380 = vector.shape_cast %get3A_379 : vector<1x16xf32> to vector<16xf32>
          %add3A_381 = arith.addf %scan3A_359, %get3A_380 : vector<16xf32>
          %add3A_382 = arith.constant 3 : i32
          %add3A_383 = arith.addi %mul3A_362, %add3A_382 : i32
          %get3A_384 = arith.index_cast %add3A_383 : i32 to index
          %get3A_385 = arith.index_cast %mul3A_127 : i32 to index
          %get3A_386 = tpu.vector_load %arg7[%get3A_384, %get3A_385] {strides = array<i32>} : memref<288x128xf32, #tpu.memory_space<vmem>>, vector<1x16xf32>,
          %get3A_387 = vector.shape_cast %get3A_386 : vector<1x16xf32> to vector<16xf32>
          %add3A_388 = arith.addf %scan3A_360, %get3A_387 : vector<16xf32>
          scf.yield %add3A_367, %add3A_374, %add3A_381, %add3A_388 : vector<16xf32>, vector<16xf32>, vector<16xf32>, vector<16xf32>
        }
        %scan3A_270 = arith.constant 72 : i32
        %add3A_271 = arith.addf %scan3A_269#0, %scan3A_269#1 : vector<16xf32>
        %add3A_272 = arith.addf %scan3A_269#2, %scan3A_269#3 : vector<16xf32>
        %add3A_273 = arith.addf %add3A_271, %add3A_272 : vector<16xf32>
        %add3A_274 = arith.addf %add3A_247, %add3A_273 : vector<16xf32>
        %mul3A_275 = arith.constant 128 : i32
        %mul3A_276 = arith.muli %select_n3A_122, %mul3A_275 : i32
        %multiple_of3A_277 = tpu.assume_multiple %mul3A_276, 128 : i32
        %dma_start3A_278 = arith.constant 0 : i32
        %dma_start3A_279 = tpu.memref_slice %arg2[%add3A_181, %dma_start3A_278, %multiple_of3A_277] : memref<96x576x576xf32, #tpu.memory_space<hbm>> -> memref<1x288x128xf32, #tpu.memory_space<hbm>>
        %dma_start3A_280 = tpu.memref_squeeze %dma_start3A_279 : memref<1x288x128xf32, #tpu.memory_space<hbm>> -> memref<288x128xf32, #tpu.memory_space<hbm>>
        %dma_start3A_281 = arith.constant 0 : i32
        %dma_start3A_282 = tpu.memref_slice %arg2[%add3A_181, %dma_start3A_281, %multiple_of3A_277] : memref<96x576x576xf32, #tpu.memory_space<hbm>> -> memref<1x288x128xf32, #tpu.memory_space<hbm>>
        %dma_start3A_283 = tpu.memref_squeeze %dma_start3A_282 : memref<1x288x128xf32, #tpu.memory_space<hbm>> -> memref<288x128xf32, #tpu.memory_space<hbm>>
        tpu.enqueue_dma source(%dma_start3A_283 : memref<288x128xf32, #tpu.memory_space<hbm>>) target(%arg7 : memref<288x128xf32, #tpu.memory_space<vmem>>) target_semaphore(%arg10 : memref<!tpu.dma_semaphore, #tpu.memory_space<semaphore_mem>>)
        %dma_wait3A_284 = arith.constant 288 : i32
        %dma_wait3A_285 = tpu.memref_slice %arg2[%add3A_177, %dma_wait3A_284, %multiple_of3A_250] : memref<96x576x576xf32, #tpu.memory_space<hbm>> -> memref<1x288x128xf32, #tpu.memory_space<hbm>>
        %dma_wait3A_286 = tpu.memref_squeeze %dma_wait3A_285 : memref<1x288x128xf32, #tpu.memory_space<hbm>> -> memref<288x128xf32, #tpu.memory_space<hbm>>
        %dma_wait3A_287 = arith.constant 288 : i32
        %dma_wait3A_288 = tpu.memref_slice %arg2[%add3A_177, %dma_wait3A_287, %multiple_of3A_250] : memref<96x576x576xf32, #tpu.memory_space<hbm>> -> memref<1x288x128xf32, #tpu.memory_space<hbm>>
        %dma_wait3A_289 = tpu.memref_squeeze %dma_wait3A_288 : memref<1x288x128xf32, #tpu.memory_space<hbm>> -> memref<288x128xf32, #tpu.memory_space<hbm>>
        tpu.wait_dma2 semaphore(%arg11 : memref<!tpu.dma_semaphore, #tpu.memory_space<semaphore_mem>>) src(%dma_wait3A_289 : memref<288x128xf32, #tpu.memory_space<hbm>>) dst(%arg8 : memref<288x128xf32, #tpu.memory_space<vmem>>)
        %broadcast_in_dim3A_290 = arith.constant 0.000000e+00 : f32
        %broadcast_in_dim3A_291 = vector.broadcast %broadcast_in_dim3A_290 : f32 to vector<16xf32>
        %scan3A_292 = arith.constant 0 : i32
        %scan3A_293 = arith.constant 72 : i32
        %scan3A_294 = arith.addi %scan3A_292, %scan3A_293 : i32
        %scan3A_295 = arith.constant 1 : i32
        %scan3A_296:4 = scf.for %scan3A_356 = %scan3A_292 to %scan3A_294 step %scan3A_295 iter_args(%scan3A_357 = %broadcast_in_dim3A_291, %scan3A_358 = %broadcast_in_dim3A_291, %scan3A_359 = %broadcast_in_dim3A_291, %scan3A_360 = %broadcast_in_dim3A_291) -> (vector<16xf32>, vector<16xf32>, vector<16xf32>, vector<16xf32>)  : i32 {
          %mul3A_361 = arith.constant 4 : i32
          %mul3A_362 = arith.muli %scan3A_356, %mul3A_361 : i32
          %get3A_363 = arith.index_cast %mul3A_362 : i32 to index
          %get3A_364 = arith.index_cast %mul3A_127 : i32 to index
          %get3A_365 = tpu.vector_load %arg8[%get3A_363, %get3A_364] {strides = array<i32>} : memref<288x128xf32, #tpu.memory_space<vmem>>, vector<1x16xf32>,
          %get3A_366 = vector.shape_cast %get3A_365 : vector<1x16xf32> to vector<16xf32>
          %add3A_367 = arith.addf %scan3A_357, %get3A_366 : vector<16xf32>
          %add3A_368 = arith.constant 1 : i32
          %add3A_369 = arith.addi %mul3A_362, %add3A_368 : i32
          %get3A_370 = arith.index_cast %add3A_369 : i32 to index
          %get3A_371 = arith.index_cast %mul3A_127 : i32 to index
          %get3A_372 = tpu.vector_load %arg8[%get3A_370, %get3A_371] {strides = array<i32>} : memref<288x128xf32, #tpu.memory_space<vmem>>, vector<1x16xf32>,
          %get3A_373 = vector.shape_cast %get3A_372 : vector<1x16xf32> to vector<16xf32>
          %add3A_374 = arith.addf %scan3A_358, %get3A_373 : vector<16xf32>
          %add3A_375 = arith.constant 2 : i32
          %add3A_376 = arith.addi %mul3A_362, %add3A_375 : i32
          %get3A_377 = arith.index_cast %add3A_376 : i32 to index
          %get3A_378 = arith.index_cast %mul3A_127 : i32 to index
          %get3A_379 = tpu.vector_load %arg8[%get3A_377, %get3A_378] {strides = array<i32>} : memref<288x128xf32, #tpu.memory_space<vmem>>, vector<1x16xf32>,
          %get3A_380 = vector.shape_cast %get3A_379 : vector<1x16xf32> to vector<16xf32>
          %add3A_381 = arith.addf %scan3A_359, %get3A_380 : vector<16xf32>
          %add3A_382 = arith.constant 3 : i32
          %add3A_383 = arith.addi %mul3A_362, %add3A_382 : i32
          %get3A_384 = arith.index_cast %add3A_383 : i32 to index
          %get3A_385 = arith.index_cast %mul3A_127 : i32 to index
          %get3A_386 = tpu.vector_load %arg8[%get3A_384, %get3A_385] {strides = array<i32>} : memref<288x128xf32, #tpu.memory_space<vmem>>, vector<1x16xf32>,
          %get3A_387 = vector.shape_cast %get3A_386 : vector<1x16xf32> to vector<16xf32>
          %add3A_388 = arith.addf %scan3A_360, %get3A_387 : vector<16xf32>
          scf.yield %add3A_367, %add3A_374, %add3A_381, %add3A_388 : vector<16xf32>, vector<16xf32>, vector<16xf32>, vector<16xf32>
        }
        %scan3A_297 = arith.constant 72 : i32
        %add3A_298 = arith.addf %scan3A_296#0, %scan3A_296#1 : vector<16xf32>
        %add3A_299 = arith.addf %scan3A_296#2, %scan3A_296#3 : vector<16xf32>
        %add3A_300 = arith.addf %add3A_298, %add3A_299 : vector<16xf32>
        %add3A_301 = arith.addf %add3A_274, %add3A_300 : vector<16xf32>
        %mul3A_302 = arith.constant 128 : i32
        %mul3A_303 = arith.muli %select_n3A_122, %mul3A_302 : i32
        %multiple_of3A_304 = tpu.assume_multiple %mul3A_303, 128 : i32
        %dma_start3A_305 = arith.constant 288 : i32
        %dma_start3A_306 = tpu.memref_slice %arg2[%add3A_185, %dma_start3A_305, %multiple_of3A_304] : memref<96x576x576xf32, #tpu.memory_space<hbm>> -> memref<1x288x128xf32, #tpu.memory_space<hbm>>
        %dma_start3A_307 = tpu.memref_squeeze %dma_start3A_306 : memref<1x288x128xf32, #tpu.memory_space<hbm>> -> memref<288x128xf32, #tpu.memory_space<hbm>>
        %dma_start3A_308 = arith.constant 288 : i32
        %dma_start3A_309 = tpu.memref_slice %arg2[%add3A_185, %dma_start3A_308, %multiple_of3A_304] : memref<96x576x576xf32, #tpu.memory_space<hbm>> -> memref<1x288x128xf32, #tpu.memory_space<hbm>>
        %dma_start3A_310 = tpu.memref_squeeze %dma_start3A_309 : memref<1x288x128xf32, #tpu.memory_space<hbm>> -> memref<288x128xf32, #tpu.memory_space<hbm>>
        tpu.enqueue_dma source(%dma_start3A_310 : memref<288x128xf32, #tpu.memory_space<hbm>>) target(%arg8 : memref<288x128xf32, #tpu.memory_space<vmem>>) target_semaphore(%arg11 : memref<!tpu.dma_semaphore, #tpu.memory_space<semaphore_mem>>)
        %dma_wait3A_311 = arith.constant 0 : i32
        %dma_wait3A_312 = tpu.memref_slice %arg2[%add3A_181, %dma_wait3A_311, %multiple_of3A_277] : memref<96x576x576xf32, #tpu.memory_space<hbm>> -> memref<1x288x128xf32, #tpu.memory_space<hbm>>
        %dma_wait3A_313 = tpu.memref_squeeze %dma_wait3A_312 : memref<1x288x128xf32, #tpu.memory_space<hbm>> -> memref<288x128xf32, #tpu.memory_space<hbm>>
        %dma_wait3A_314 = arith.constant 0 : i32
        %dma_wait3A_315 = tpu.memref_slice %arg2[%add3A_181, %dma_wait3A_314, %multiple_of3A_277] : memref<96x576x576xf32, #tpu.memory_space<hbm>> -> memref<1x288x128xf32, #tpu.memory_space<hbm>>
        %dma_wait3A_316 = tpu.memref_squeeze %dma_wait3A_315 : memref<1x288x128xf32, #tpu.memory_space<hbm>> -> memref<288x128xf32, #tpu.memory_space<hbm>>
        tpu.wait_dma2 semaphore(%arg10 : memref<!tpu.dma_semaphore, #tpu.memory_space<semaphore_mem>>) src(%dma_wait3A_316 : memref<288x128xf32, #tpu.memory_space<hbm>>) dst(%arg7 : memref<288x128xf32, #tpu.memory_space<vmem>>)
        %broadcast_in_dim3A_317 = arith.constant 0.000000e+00 : f32
        %broadcast_in_dim3A_318 = vector.broadcast %broadcast_in_dim3A_317 : f32 to vector<16xf32>
        %scan3A_319 = arith.constant 0 : i32
        %scan3A_320 = arith.constant 72 : i32
        %scan3A_321 = arith.addi %scan3A_319, %scan3A_320 : i32
        %scan3A_322 = arith.constant 1 : i32
        %scan3A_323:4 = scf.for %scan3A_356 = %scan3A_319 to %scan3A_321 step %scan3A_322 iter_args(%scan3A_357 = %broadcast_in_dim3A_318, %scan3A_358 = %broadcast_in_dim3A_318, %scan3A_359 = %broadcast_in_dim3A_318, %scan3A_360 = %broadcast_in_dim3A_318) -> (vector<16xf32>, vector<16xf32>, vector<16xf32>, vector<16xf32>)  : i32 {
          %mul3A_361 = arith.constant 4 : i32
          %mul3A_362 = arith.muli %scan3A_356, %mul3A_361 : i32
          %get3A_363 = arith.index_cast %mul3A_362 : i32 to index
          %get3A_364 = arith.index_cast %mul3A_127 : i32 to index
          %get3A_365 = tpu.vector_load %arg7[%get3A_363, %get3A_364] {strides = array<i32>} : memref<288x128xf32, #tpu.memory_space<vmem>>, vector<1x16xf32>,
          %get3A_366 = vector.shape_cast %get3A_365 : vector<1x16xf32> to vector<16xf32>
          %add3A_367 = arith.addf %scan3A_357, %get3A_366 : vector<16xf32>
          %add3A_368 = arith.constant 1 : i32
          %add3A_369 = arith.addi %mul3A_362, %add3A_368 : i32
          %get3A_370 = arith.index_cast %add3A_369 : i32 to index
          %get3A_371 = arith.index_cast %mul3A_127 : i32 to index
          %get3A_372 = tpu.vector_load %arg7[%get3A_370, %get3A_371] {strides = array<i32>} : memref<288x128xf32, #tpu.memory_space<vmem>>, vector<1x16xf32>,
          %get3A_373 = vector.shape_cast %get3A_372 : vector<1x16xf32> to vector<16xf32>
          %add3A_374 = arith.addf %scan3A_358, %get3A_373 : vector<16xf32>
          %add3A_375 = arith.constant 2 : i32
          %add3A_376 = arith.addi %mul3A_362, %add3A_375 : i32
          %get3A_377 = arith.index_cast %add3A_376 : i32 to index
          %get3A_378 = arith.index_cast %mul3A_127 : i32 to index
          %get3A_379 = tpu.vector_load %arg7[%get3A_377, %get3A_378] {strides = array<i32>} : memref<288x128xf32, #tpu.memory_space<vmem>>, vector<1x16xf32>,
          %get3A_380 = vector.shape_cast %get3A_379 : vector<1x16xf32> to vector<16xf32>
          %add3A_381 = arith.addf %scan3A_359, %get3A_380 : vector<16xf32>
          %add3A_382 = arith.constant 3 : i32
          %add3A_383 = arith.addi %mul3A_362, %add3A_382 : i32
          %get3A_384 = arith.index_cast %add3A_383 : i32 to index
          %get3A_385 = arith.index_cast %mul3A_127 : i32 to index
          %get3A_386 = tpu.vector_load %arg7[%get3A_384, %get3A_385] {strides = array<i32>} : memref<288x128xf32, #tpu.memory_space<vmem>>, vector<1x16xf32>,
          %get3A_387 = vector.shape_cast %get3A_386 : vector<1x16xf32> to vector<16xf32>
          %add3A_388 = arith.addf %scan3A_360, %get3A_387 : vector<16xf32>
          scf.yield %add3A_367, %add3A_374, %add3A_381, %add3A_388 : vector<16xf32>, vector<16xf32>, vector<16xf32>, vector<16xf32>
        }
        %scan3A_324 = arith.constant 72 : i32
        %add3A_325 = arith.addf %scan3A_323#0, %scan3A_323#1 : vector<16xf32>
        %add3A_326 = arith.addf %scan3A_323#2, %scan3A_323#3 : vector<16xf32>
        %add3A_327 = arith.addf %add3A_325, %add3A_326 : vector<16xf32>
        %add3A_328 = arith.addf %add3A_301, %add3A_327 : vector<16xf32>
        %dma_wait3A_329 = arith.constant 288 : i32
        %dma_wait3A_330 = tpu.memref_slice %arg2[%add3A_185, %dma_wait3A_329, %multiple_of3A_304] : memref<96x576x576xf32, #tpu.memory_space<hbm>> -> memref<1x288x128xf32, #tpu.memory_space<hbm>>
        %dma_wait3A_331 = tpu.memref_squeeze %dma_wait3A_330 : memref<1x288x128xf32, #tpu.memory_space<hbm>> -> memref<288x128xf32, #tpu.memory_space<hbm>>
        %dma_wait3A_332 = arith.constant 288 : i32
        %dma_wait3A_333 = tpu.memref_slice %arg2[%add3A_185, %dma_wait3A_332, %multiple_of3A_304] : memref<96x576x576xf32, #tpu.memory_space<hbm>> -> memref<1x288x128xf32, #tpu.memory_space<hbm>>
        %dma_wait3A_334 = tpu.memref_squeeze %dma_wait3A_333 : memref<1x288x128xf32, #tpu.memory_space<hbm>> -> memref<288x128xf32, #tpu.memory_space<hbm>>
        tpu.wait_dma2 semaphore(%arg11 : memref<!tpu.dma_semaphore, #tpu.memory_space<semaphore_mem>>) src(%dma_wait3A_334 : memref<288x128xf32, #tpu.memory_space<hbm>>) dst(%arg8 : memref<288x128xf32, #tpu.memory_space<vmem>>)
        %broadcast_in_dim3A_335 = arith.constant 0.000000e+00 : f32
        %broadcast_in_dim3A_336 = vector.broadcast %broadcast_in_dim3A_335 : f32 to vector<16xf32>
        %scan3A_337 = arith.constant 0 : i32
        %scan3A_338 = arith.constant 72 : i32
        %scan3A_339 = arith.addi %scan3A_337, %scan3A_338 : i32
        %scan3A_340 = arith.constant 1 : i32
        %scan3A_341:4 = scf.for %scan3A_356 = %scan3A_337 to %scan3A_339 step %scan3A_340 iter_args(%scan3A_357 = %broadcast_in_dim3A_336, %scan3A_358 = %broadcast_in_dim3A_336, %scan3A_359 = %broadcast_in_dim3A_336, %scan3A_360 = %broadcast_in_dim3A_336) -> (vector<16xf32>, vector<16xf32>, vector<16xf32>, vector<16xf32>)  : i32 {
          %mul3A_361 = arith.constant 4 : i32
          %mul3A_362 = arith.muli %scan3A_356, %mul3A_361 : i32
          %get3A_363 = arith.index_cast %mul3A_362 : i32 to index
          %get3A_364 = arith.index_cast %mul3A_127 : i32 to index
          %get3A_365 = tpu.vector_load %arg8[%get3A_363, %get3A_364] {strides = array<i32>} : memref<288x128xf32, #tpu.memory_space<vmem>>, vector<1x16xf32>,
          %get3A_366 = vector.shape_cast %get3A_365 : vector<1x16xf32> to vector<16xf32>
          %add3A_367 = arith.addf %scan3A_357, %get3A_366 : vector<16xf32>
          %add3A_368 = arith.constant 1 : i32
          %add3A_369 = arith.addi %mul3A_362, %add3A_368 : i32
          %get3A_370 = arith.index_cast %add3A_369 : i32 to index
          %get3A_371 = arith.index_cast %mul3A_127 : i32 to index
          %get3A_372 = tpu.vector_load %arg8[%get3A_370, %get3A_371] {strides = array<i32>} : memref<288x128xf32, #tpu.memory_space<vmem>>, vector<1x16xf32>,
          %get3A_373 = vector.shape_cast %get3A_372 : vector<1x16xf32> to vector<16xf32>
          %add3A_374 = arith.addf %scan3A_358, %get3A_373 : vector<16xf32>
          %add3A_375 = arith.constant 2 : i32
          %add3A_376 = arith.addi %mul3A_362, %add3A_375 : i32
          %get3A_377 = arith.index_cast %add3A_376 : i32 to index
          %get3A_378 = arith.index_cast %mul3A_127 : i32 to index
          %get3A_379 = tpu.vector_load %arg8[%get3A_377, %get3A_378] {strides = array<i32>} : memref<288x128xf32, #tpu.memory_space<vmem>>, vector<1x16xf32>,
          %get3A_380 = vector.shape_cast %get3A_379 : vector<1x16xf32> to vector<16xf32>
          %add3A_381 = arith.addf %scan3A_359, %get3A_380 : vector<16xf32>
          %add3A_382 = arith.constant 3 : i32
          %add3A_383 = arith.addi %mul3A_362, %add3A_382 : i32
          %get3A_384 = arith.index_cast %add3A_383 : i32 to index
          %get3A_385 = arith.index_cast %mul3A_127 : i32 to index
          %get3A_386 = tpu.vector_load %arg8[%get3A_384, %get3A_385] {strides = array<i32>} : memref<288x128xf32, #tpu.memory_space<vmem>>, vector<1x16xf32>,
          %get3A_387 = vector.shape_cast %get3A_386 : vector<1x16xf32> to vector<16xf32>
          %add3A_388 = arith.addf %scan3A_360, %get3A_387 : vector<16xf32>
          scf.yield %add3A_367, %add3A_374, %add3A_381, %add3A_388 : vector<16xf32>, vector<16xf32>, vector<16xf32>, vector<16xf32>
        }
        %scan3A_342 = arith.constant 72 : i32
        %add3A_343 = arith.addf %scan3A_341#0, %scan3A_341#1 : vector<16xf32>
        %add3A_344 = arith.addf %scan3A_341#2, %scan3A_341#3 : vector<16xf32>
        %add3A_345 = arith.addf %add3A_343, %add3A_344 : vector<16xf32>
        %add3A_346 = arith.addf %add3A_328, %add3A_345 : vector<16xf32>
        %get3A_347 = arith.constant 0 : index
        %get3A_348 = tpu.vector_load %arg9[%get3A_347] {strides = array<i32>} : memref<16xf32, #tpu.memory_space<vmem>>, vector<16xf32>,
        %get3A_349 = vector.shape_cast %get3A_348 : vector<16xf32> to vector<16xf32>
        %mul3A_350 = arith.mulf %add3A_346, %select_n3A : vector<16xf32>
        %add3A_351 = arith.addf %get3A_349, %mul3A_350 : vector<16xf32>
        %swap3A_352 = arith.constant 0 : index
        %swap3A_353 = tpu.vector_load %arg9[%swap3A_352] {strides = array<i32>} : memref<16xf32, #tpu.memory_space<vmem>>, vector<16xf32>,
        %swap3A_354 = vector.shape_cast %swap3A_353 : vector<16xf32> to vector<16xf32>
        %swap3A_355 = vector.shape_cast %add3A_351 : vector<16xf32> to vector<16xf32>
        tpu.vector_store %arg9[%swap3A_352], %swap3A_355 {strides = array<i32>} : memref<16xf32, #tpu.memory_space<vmem>>, vector<16xf32>,
      } else {
      }
      %add3A_138 = arith.constant 16 : i32
      %add3A_139 = vector.broadcast %add3A_138 : i32 to vector<16xi32>
      %add3A_140 = arith.addi %scan3A_56, %add3A_139 : vector<16xi32>
      %ge3A_141 = arith.constant 24 : i32
      %ge3A_142 = vector.broadcast %ge3A_141 : i32 to vector<16xi32>
      %ge3A_143 = arith.cmpi sge, %add3A_140, %ge3A_142 : vector<16xi32>
      %sub3A_144 = arith.constant 24 : i32
      %sub3A_145 = vector.broadcast %sub3A_144 : i32 to vector<16xi32>
      %sub3A_146 = arith.subi %add3A_140, %sub3A_145 : vector<16xi32>
      %select_n3A_147 = arith.select %ge3A_143, %sub3A_146, %add3A_140 : vector<16xi1>, vector<16xi32>
      %add3A_148 = arith.constant 1 : i32
      %add3A_149 = vector.broadcast %add3A_148 : i32 to vector<16xi32>
      %add3A_150 = arith.addi %scan3A_55, %add3A_149 : vector<16xi32>
      %select_n3A_151 = arith.select %ge3A_143, %add3A_150, %scan3A_55 : vector<16xi1>, vector<16xi32>
      %add3A_152 = arith.constant 16 : i32
      %add3A_153 = arith.addi %scan3A_58, %add3A_152 : i32
      %ge3A_154 = arith.constant 24 : i32
      %ge3A_155 = arith.cmpi sge, %add3A_153, %ge3A_154 : i32
      %sub3A_156 = arith.constant 24 : i32
      %sub3A_157 = arith.subi %add3A_153, %sub3A_156 : i32
      %select_n3A_158 = arith.select %ge3A_155, %sub3A_157, %add3A_153 : i32
      %add3A_159 = arith.constant 1 : i32
      %add3A_160 = arith.addi %scan3A_57, %add3A_159 : i32
      %select_n3A_161 = arith.select %ge3A_155, %add3A_160, %scan3A_57 : i32
      scf.yield %select_n3A_151, %select_n3A_147, %select_n3A_161, %select_n3A_158 : vector<16xi32>, vector<16xi32>, i32, i32
    }
    %scan3A_51 = arith.constant 32 : i32
    "tpu.region"() ({
      %run_scoped3A = tpu.sem_alloc : memref<!tpu.dma_semaphore, #tpu.memory_space<semaphore_mem>>
      %dma_start3A = arith.constant 0 : i32
      %dma_start3A_54 = tpu.memref_slice %arg4[%add3A, %dma_start3A] : memref<32x16xf32, #tpu.memory_space<hbm>> -> memref<1x16xf32, #tpu.memory_space<hbm>>
      %dma_start3A_55 = tpu.memref_squeeze %dma_start3A_54 : memref<1x16xf32, #tpu.memory_space<hbm>> -> memref<16xf32, #tpu.memory_space<hbm>>
      %dma_start3A_56 = arith.constant 0 : i32
      %dma_start3A_57 = tpu.memref_slice %arg4[%add3A, %dma_start3A_56] : memref<32x16xf32, #tpu.memory_space<hbm>> -> memref<1x16xf32, #tpu.memory_space<hbm>>
      %dma_start3A_58 = tpu.memref_squeeze %dma_start3A_57 : memref<1x16xf32, #tpu.memory_space<hbm>> -> memref<16xf32, #tpu.memory_space<hbm>>
      tpu.enqueue_dma source(%arg9 : memref<16xf32, #tpu.memory_space<vmem>>) target(%dma_start3A_58 : memref<16xf32, #tpu.memory_space<hbm>>) target_semaphore(%run_scoped3A : memref<!tpu.dma_semaphore, #tpu.memory_space<semaphore_mem>>)
      %dma_wait3A = arith.constant 0 : i32
      %dma_wait3A_59 = tpu.memref_slice %arg4[%add3A, %dma_wait3A] : memref<32x16xf32, #tpu.memory_space<hbm>> -> memref<1x16xf32, #tpu.memory_space<hbm>>
      %dma_wait3A_60 = tpu.memref_squeeze %dma_wait3A_59 : memref<1x16xf32, #tpu.memory_space<hbm>> -> memref<16xf32, #tpu.memory_space<hbm>>
      %dma_wait3A_61 = arith.constant 0 : i32
      %dma_wait3A_62 = tpu.memref_slice %arg4[%add3A, %dma_wait3A_61] : memref<32x16xf32, #tpu.memory_space<hbm>> -> memref<1x16xf32, #tpu.memory_space<hbm>>
      %dma_wait3A_63 = tpu.memref_squeeze %dma_wait3A_62 : memref<1x16xf32, #tpu.memory_space<hbm>> -> memref<16xf32, #tpu.memory_space<hbm>>
      tpu.wait_dma2 semaphore(%run_scoped3A : memref<!tpu.dma_semaphore, #tpu.memory_space<semaphore_mem>>) src(%arg9 : memref<16xf32, #tpu.memory_space<vmem>>) dst(%dma_wait3A_63 : memref<16xf32, #tpu.memory_space<hbm>>)
      tpu.yield
    }) : () -> ()
    %eq3A = arith.constant 0 : i32
    %eq3A_52 = arith.cmpi eq, %add3A, %eq3A : i32
    %convert_element_type3A = arith.extui %eq3A_52 : i1 to i32
    %cond3A = arith.constant 0 : i32
    %cond3A_53 = arith.cmpi ne, %convert_element_type3A, %cond3A : i32
    scf.if %cond3A_53 {
      %sub3A_54 = arith.subi %min3A_17, %max3A_10 : i32
      %max3A_55 = arith.constant 0 : i32
      %max3A_56 = arith.maxsi %max3A_55, %sub3A_54 : i32
      %sub3A_57 = arith.subi %min3A_30, %max3A_21 : i32
      %max3A_58 = arith.constant 0 : i32
      %max3A_59 = arith.maxsi %max3A_58, %sub3A_57 : i32
      %mul3A_60 = arith.muli %max3A_56, %max3A_59 : i32
      %broadcast_in_dim3A_61 = arith.constant 0 : i32
      %broadcast_in_dim3A_62 = vector.broadcast %broadcast_in_dim3A_61 : i32 to vector<16xi32>
      %add3A_63 = vector.broadcast %mul3A_60 : i32 to vector<16xi32>
      %add3A_64 = arith.addi %broadcast_in_dim3A_62, %add3A_63 : vector<16xi32>
      %convert_element_type3A_65 = arith.sitofp %add3A_64 : vector<16xi32> to vector<16xf32>
      %swap3A_66 = arith.constant 0 : index
      %swap3A_67 = tpu.vector_load %arg9[%swap3A_66] {strides = array<i32>} : memref<16xf32, #tpu.memory_space<vmem>>, vector<16xf32>,
      %swap3A_68 = vector.shape_cast %swap3A_67 : vector<16xf32> to vector<16xf32>
      %swap3A_69 = vector.shape_cast %convert_element_type3A_65 : vector<16xf32> to vector<16xf32>
      tpu.vector_store %arg9[%swap3A_66], %swap3A_69 {strides = array<i32>} : memref<16xf32, #tpu.memory_space<vmem>>, vector<16xf32>,
      "tpu.region"() ({
        %run_scoped3A = tpu.sem_alloc : memref<!tpu.dma_semaphore, #tpu.memory_space<semaphore_mem>>
        tpu.enqueue_dma source(%arg9 : memref<16xf32, #tpu.memory_space<vmem>>) target(%arg5 : memref<16xf32, #tpu.memory_space<hbm>>) target_semaphore(%run_scoped3A : memref<!tpu.dma_semaphore, #tpu.memory_space<semaphore_mem>>)
        tpu.wait_dma2 semaphore(%run_scoped3A : memref<!tpu.dma_semaphore, #tpu.memory_space<semaphore_mem>>) src(%arg9 : memref<16xf32, #tpu.memory_space<vmem>>) dst(%arg5 : memref<16xf32, #tpu.memory_space<hbm>>)
        tpu.yield
      }) : () -> ()
    } else {
    }
    return
  }
}

module attributes {stable_mosaic.version = 14 : i64} {
  func.func @tc_body(%arg0: i32, %arg1: memref<4xi32, #tpu.memory_space<smem>>, %arg2: memref<8x576x128xf32, #tpu.memory_space<vmem>>, %arg3: memref<6x1xf32, #tpu.memory_space<smem>>) attributes {dimension_semantics = [#tpu.dimension_semantics<arbitrary>], iteration_bounds = array<i64: 6>, scalar_prefetch = 1 : i64, scratch_operands = 0 : i64, tpu.core_type = #tpu.core_type<tc>, window_params = [{transform_indices = @transform_0, window_bounds = array<i64: 8, 576, 128>}, {transform_indices = @transform_1, window_bounds = array<i64: 6, 1>}]} {
    %get3A = arith.constant 0 : index
    %get3A_0 = memref.load %arg1[%get3A] : memref<4xi32, #tpu.memory_space<smem>>
    %get3A_1 = arith.constant 1 : index
    %get3A_2 = memref.load %arg1[%get3A_1] : memref<4xi32, #tpu.memory_space<smem>>
    %get3A_3 = arith.constant 2 : index
    %get3A_4 = memref.load %arg1[%get3A_3] : memref<4xi32, #tpu.memory_space<smem>>
    %get3A_5 = arith.constant 3 : index
    %get3A_6 = memref.load %arg1[%get3A_5] : memref<4xi32, #tpu.memory_space<smem>>
    %jit3A = arith.constant 16 : i32
    %div3A = arith.divsi %get3A_2, %jit3A : i32
    %sign3A = arith.constant 0 : i32
    %sign3A_7 = arith.cmpi sgt, %get3A_2, %sign3A : i32
    %sign3A_8 = arith.extui %sign3A_7 : i1 to i32
    %sign3A_9 = arith.constant 0 : i32
    %sign3A_10 = arith.cmpi slt, %get3A_2, %sign3A_9 : i32
    %sign3A_11 = arith.extui %sign3A_10 : i1 to i32
    %sign3A_12 = arith.subi %sign3A_8, %sign3A_11 : i32
    %sign3A_13 = arith.constant 0 : i32
    %sign3A_14 = arith.cmpi sgt, %jit3A, %sign3A_13 : i32
    %sign3A_15 = arith.extui %sign3A_14 : i1 to i32
    %sign3A_16 = arith.constant 0 : i32
    %sign3A_17 = arith.cmpi slt, %jit3A, %sign3A_16 : i32
    %sign3A_18 = arith.extui %sign3A_17 : i1 to i32
    %sign3A_19 = arith.subi %sign3A_15, %sign3A_18 : i32
    %ne3A = arith.cmpi ne, %sign3A_12, %sign3A_19 : i32
    %rem3A = arith.remsi %get3A_2, %jit3A : i32
    %ne3A_20 = arith.constant 0 : i32
    %ne3A_21 = arith.cmpi ne, %rem3A, %ne3A_20 : i32
    %and3A = arith.andi %ne3A, %ne3A_21 : i1
    %sub3A = arith.constant 1 : i32
    %sub3A_22 = arith.subi %div3A, %sub3A : i32
    %select_n3A = arith.select %and3A, %sub3A_22, %div3A : i32
    %max3A = arith.constant 0 : i32
    %max3A_23 = arith.maxsi %max3A, %select_n3A : i32
    %add3A = arith.addi %get3A_2, %get3A_6 : i32
    %add3A_24 = arith.constant 16 : i32
    %add3A_25 = arith.addi %add3A, %add3A_24 : i32
    %sub3A_26 = arith.constant 1 : i32
    %sub3A_27 = arith.subi %add3A_25, %sub3A_26 : i32
    %jit3A_28 = arith.constant 16 : i32
    %div3A_29 = arith.divsi %sub3A_27, %jit3A_28 : i32
    %sign3A_30 = arith.constant 0 : i32
    %sign3A_31 = arith.cmpi sgt, %sub3A_27, %sign3A_30 : i32
    %sign3A_32 = arith.extui %sign3A_31 : i1 to i32
    %sign3A_33 = arith.constant 0 : i32
    %sign3A_34 = arith.cmpi slt, %sub3A_27, %sign3A_33 : i32
    %sign3A_35 = arith.extui %sign3A_34 : i1 to i32
    %sign3A_36 = arith.subi %sign3A_32, %sign3A_35 : i32
    %sign3A_37 = arith.constant 0 : i32
    %sign3A_38 = arith.cmpi sgt, %jit3A_28, %sign3A_37 : i32
    %sign3A_39 = arith.extui %sign3A_38 : i1 to i32
    %sign3A_40 = arith.constant 0 : i32
    %sign3A_41 = arith.cmpi slt, %jit3A_28, %sign3A_40 : i32
    %sign3A_42 = arith.extui %sign3A_41 : i1 to i32
    %sign3A_43 = arith.subi %sign3A_39, %sign3A_42 : i32
    %ne3A_44 = arith.cmpi ne, %sign3A_36, %sign3A_43 : i32
    %rem3A_45 = arith.remsi %sub3A_27, %jit3A_28 : i32
    %ne3A_46 = arith.constant 0 : i32
    %ne3A_47 = arith.cmpi ne, %rem3A_45, %ne3A_46 : i32
    %and3A_48 = arith.andi %ne3A_44, %ne3A_47 : i1
    %sub3A_49 = arith.constant 1 : i32
    %sub3A_50 = arith.subi %div3A_29, %sub3A_49 : i32
    %select_n3A_51 = arith.select %and3A_48, %sub3A_50, %div3A_29 : i32
    %min3A = arith.constant 24 : i32
    %min3A_52 = arith.minsi %min3A, %select_n3A_51 : i32
    %jit3A_53 = arith.constant 16 : i32
    %div3A_54 = arith.divsi %get3A_0, %jit3A_53 : i32
    %sign3A_55 = arith.constant 0 : i32
    %sign3A_56 = arith.cmpi sgt, %get3A_0, %sign3A_55 : i32
    %sign3A_57 = arith.extui %sign3A_56 : i1 to i32
    %sign3A_58 = arith.constant 0 : i32
    %sign3A_59 = arith.cmpi slt, %get3A_0, %sign3A_58 : i32
    %sign3A_60 = arith.extui %sign3A_59 : i1 to i32
    %sign3A_61 = arith.subi %sign3A_57, %sign3A_60 : i32
    %sign3A_62 = arith.constant 0 : i32
    %sign3A_63 = arith.cmpi sgt, %jit3A_53, %sign3A_62 : i32
    %sign3A_64 = arith.extui %sign3A_63 : i1 to i32
    %sign3A_65 = arith.constant 0 : i32
    %sign3A_66 = arith.cmpi slt, %jit3A_53, %sign3A_65 : i32
    %sign3A_67 = arith.extui %sign3A_66 : i1 to i32
    %sign3A_68 = arith.subi %sign3A_64, %sign3A_67 : i32
    %ne3A_69 = arith.cmpi ne, %sign3A_61, %sign3A_68 : i32
    %rem3A_70 = arith.remsi %get3A_0, %jit3A_53 : i32
    %ne3A_71 = arith.constant 0 : i32
    %ne3A_72 = arith.cmpi ne, %rem3A_70, %ne3A_71 : i32
    %and3A_73 = arith.andi %ne3A_69, %ne3A_72 : i1
    %sub3A_74 = arith.constant 1 : i32
    %sub3A_75 = arith.subi %div3A_54, %sub3A_74 : i32
    %select_n3A_76 = arith.select %and3A_73, %sub3A_75, %div3A_54 : i32
    %max3A_77 = arith.constant 0 : i32
    %max3A_78 = arith.maxsi %max3A_77, %select_n3A_76 : i32
    %add3A_79 = arith.addi %get3A_0, %get3A_4 : i32
    %add3A_80 = arith.constant 16 : i32
    %add3A_81 = arith.addi %add3A_79, %add3A_80 : i32
    %sub3A_82 = arith.constant 1 : i32
    %sub3A_83 = arith.subi %add3A_81, %sub3A_82 : i32
    %jit3A_84 = arith.constant 16 : i32
    %div3A_85 = arith.divsi %sub3A_83, %jit3A_84 : i32
    %sign3A_86 = arith.constant 0 : i32
    %sign3A_87 = arith.cmpi sgt, %sub3A_83, %sign3A_86 : i32
    %sign3A_88 = arith.extui %sign3A_87 : i1 to i32
    %sign3A_89 = arith.constant 0 : i32
    %sign3A_90 = arith.cmpi slt, %sub3A_83, %sign3A_89 : i32
    %sign3A_91 = arith.extui %sign3A_90 : i1 to i32
    %sign3A_92 = arith.subi %sign3A_88, %sign3A_91 : i32
    %sign3A_93 = arith.constant 0 : i32
    %sign3A_94 = arith.cmpi sgt, %jit3A_84, %sign3A_93 : i32
    %sign3A_95 = arith.extui %sign3A_94 : i1 to i32
    %sign3A_96 = arith.constant 0 : i32
    %sign3A_97 = arith.cmpi slt, %jit3A_84, %sign3A_96 : i32
    %sign3A_98 = arith.extui %sign3A_97 : i1 to i32
    %sign3A_99 = arith.subi %sign3A_95, %sign3A_98 : i32
    %ne3A_100 = arith.cmpi ne, %sign3A_92, %sign3A_99 : i32
    %rem3A_101 = arith.remsi %sub3A_83, %jit3A_84 : i32
    %ne3A_102 = arith.constant 0 : i32
    %ne3A_103 = arith.cmpi ne, %rem3A_101, %ne3A_102 : i32
    %and3A_104 = arith.andi %ne3A_100, %ne3A_103 : i1
    %sub3A_105 = arith.constant 1 : i32
    %sub3A_106 = arith.subi %div3A_85, %sub3A_105 : i32
    %select_n3A_107 = arith.select %and3A_104, %sub3A_106, %div3A_85 : i32
    %min3A_108 = arith.constant 24 : i32
    %min3A_109 = arith.minsi %min3A_108, %select_n3A_107 : i32
    %get3A_110 = arith.constant 0 : index
    %get3A_111 = memref.load %arg1[%get3A_110] : memref<4xi32, #tpu.memory_space<smem>>
    %get3A_112 = arith.constant 1 : index
    %get3A_113 = memref.load %arg1[%get3A_112] : memref<4xi32, #tpu.memory_space<smem>>
    %jit3A_114 = arith.constant 16 : i32
    %div3A_115 = arith.divsi %get3A_113, %jit3A_114 : i32
    %sign3A_116 = arith.constant 0 : i32
    %sign3A_117 = arith.cmpi sgt, %get3A_113, %sign3A_116 : i32
    %sign3A_118 = arith.extui %sign3A_117 : i1 to i32
    %sign3A_119 = arith.constant 0 : i32
    %sign3A_120 = arith.cmpi slt, %get3A_113, %sign3A_119 : i32
    %sign3A_121 = arith.extui %sign3A_120 : i1 to i32
    %sign3A_122 = arith.subi %sign3A_118, %sign3A_121 : i32
    %sign3A_123 = arith.constant 0 : i32
    %sign3A_124 = arith.cmpi sgt, %jit3A_114, %sign3A_123 : i32
    %sign3A_125 = arith.extui %sign3A_124 : i1 to i32
    %sign3A_126 = arith.constant 0 : i32
    %sign3A_127 = arith.cmpi slt, %jit3A_114, %sign3A_126 : i32
    %sign3A_128 = arith.extui %sign3A_127 : i1 to i32
    %sign3A_129 = arith.subi %sign3A_125, %sign3A_128 : i32
    %ne3A_130 = arith.cmpi ne, %sign3A_122, %sign3A_129 : i32
    %rem3A_131 = arith.remsi %get3A_113, %jit3A_114 : i32
    %ne3A_132 = arith.constant 0 : i32
    %ne3A_133 = arith.cmpi ne, %rem3A_131, %ne3A_132 : i32
    %and3A_134 = arith.andi %ne3A_130, %ne3A_133 : i1
    %sub3A_135 = arith.constant 1 : i32
    %sub3A_136 = arith.subi %div3A_115, %sub3A_135 : i32
    %select_n3A_137 = arith.select %and3A_134, %sub3A_136, %div3A_115 : i32
    %max3A_138 = arith.constant 0 : i32
    %max3A_139 = arith.maxsi %max3A_138, %select_n3A_137 : i32
    %jit3A_140 = arith.constant 16 : i32
    %div3A_141 = arith.divsi %get3A_111, %jit3A_140 : i32
    %sign3A_142 = arith.constant 0 : i32
    %sign3A_143 = arith.cmpi sgt, %get3A_111, %sign3A_142 : i32
    %sign3A_144 = arith.extui %sign3A_143 : i1 to i32
    %sign3A_145 = arith.constant 0 : i32
    %sign3A_146 = arith.cmpi slt, %get3A_111, %sign3A_145 : i32
    %sign3A_147 = arith.extui %sign3A_146 : i1 to i32
    %sign3A_148 = arith.subi %sign3A_144, %sign3A_147 : i32
    %sign3A_149 = arith.constant 0 : i32
    %sign3A_150 = arith.cmpi sgt, %jit3A_140, %sign3A_149 : i32
    %sign3A_151 = arith.extui %sign3A_150 : i1 to i32
    %sign3A_152 = arith.constant 0 : i32
    %sign3A_153 = arith.cmpi slt, %jit3A_140, %sign3A_152 : i32
    %sign3A_154 = arith.extui %sign3A_153 : i1 to i32
    %sign3A_155 = arith.subi %sign3A_151, %sign3A_154 : i32
    %ne3A_156 = arith.cmpi ne, %sign3A_148, %sign3A_155 : i32
    %rem3A_157 = arith.remsi %get3A_111, %jit3A_140 : i32
    %ne3A_158 = arith.constant 0 : i32
    %ne3A_159 = arith.cmpi ne, %rem3A_157, %ne3A_158 : i32
    %and3A_160 = arith.andi %ne3A_156, %ne3A_159 : i1
    %sub3A_161 = arith.constant 1 : i32
    %sub3A_162 = arith.subi %div3A_141, %sub3A_161 : i32
    %select_n3A_163 = arith.select %and3A_160, %sub3A_162, %div3A_141 : i32
    %max3A_164 = arith.constant 0 : i32
    %max3A_165 = arith.maxsi %max3A_164, %select_n3A_163 : i32
    %mul3A = arith.constant 24 : i32
    %mul3A_166 = arith.muli %max3A_139, %mul3A : i32
    %add3A_167 = arith.addi %mul3A_166, %max3A_165 : i32
    %jit3A_168 = arith.constant 128 : i32
    %div3A_169 = arith.divsi %add3A_167, %jit3A_168 : i32
    %sign3A_170 = arith.constant 0 : i32
    %sign3A_171 = arith.cmpi sgt, %add3A_167, %sign3A_170 : i32
    %sign3A_172 = arith.extui %sign3A_171 : i1 to i32
    %sign3A_173 = arith.constant 0 : i32
    %sign3A_174 = arith.cmpi slt, %add3A_167, %sign3A_173 : i32
    %sign3A_175 = arith.extui %sign3A_174 : i1 to i32
    %sign3A_176 = arith.subi %sign3A_172, %sign3A_175 : i32
    %sign3A_177 = arith.constant 0 : i32
    %sign3A_178 = arith.cmpi sgt, %jit3A_168, %sign3A_177 : i32
    %sign3A_179 = arith.extui %sign3A_178 : i1 to i32
    %sign3A_180 = arith.constant 0 : i32
    %sign3A_181 = arith.cmpi slt, %jit3A_168, %sign3A_180 : i32
    %sign3A_182 = arith.extui %sign3A_181 : i1 to i32
    %sign3A_183 = arith.subi %sign3A_179, %sign3A_182 : i32
    %ne3A_184 = arith.cmpi ne, %sign3A_176, %sign3A_183 : i32
    %rem3A_185 = arith.remsi %add3A_167, %jit3A_168 : i32
    %ne3A_186 = arith.constant 0 : i32
    %ne3A_187 = arith.cmpi ne, %rem3A_185, %ne3A_186 : i32
    %and3A_188 = arith.andi %ne3A_184, %ne3A_187 : i1
    %sub3A_189 = arith.constant 1 : i32
    %sub3A_190 = arith.subi %div3A_169, %sub3A_189 : i32
    %select_n3A_191 = arith.select %and3A_188, %sub3A_190, %div3A_169 : i32
    %jit3A_192 = arith.constant 0 : i32
    %jit3A_193 = arith.constant 3 : i32
    %max3A_194 = arith.maxsi %jit3A_192, %select_n3A_191 : i32
    %min3A_195 = arith.minsi %jit3A_193, %max3A_194 : i32
    %mul3A_196 = arith.constant 128 : i32
    %mul3A_197 = arith.muli %min3A_195, %mul3A_196 : i32
    %iota3A = tpu.iota {dimensions = array<i32: 1>} : vector<1x128xi32>
    %add3A_198 = vector.broadcast %mul3A_197 : i32 to vector<1x128xi32>
    %add3A_199 = arith.addi %add3A_198, %iota3A : vector<1x128xi32>
    %mul3A_200 = arith.constant 2731 : i32
    %mul3A_201 = vector.broadcast %mul3A_200 : i32 to vector<1x128xi32>
    %mul3A_202 = arith.muli %add3A_199, %mul3A_201 : vector<1x128xi32>
    %shift_right_arithmetic3A = arith.constant 16 : i32
    %shift_right_arithmetic3A_203 = vector.broadcast %shift_right_arithmetic3A : i32 to vector<1x128xi32>
    %shift_right_arithmetic3A_204 = arith.shrsi %mul3A_202, %shift_right_arithmetic3A_203 : vector<1x128xi32>
    %mul3A_205 = arith.constant 24 : i32
    %mul3A_206 = vector.broadcast %mul3A_205 : i32 to vector<1x128xi32>
    %mul3A_207 = arith.muli %shift_right_arithmetic3A_204, %mul3A_206 : vector<1x128xi32>
    %sub3A_208 = arith.subi %add3A_199, %mul3A_207 : vector<1x128xi32>
    %ge3A = vector.broadcast %max3A_23 : i32 to vector<1x128xi32>
    %ge3A_209 = arith.cmpi sge, %shift_right_arithmetic3A_204, %ge3A : vector<1x128xi32>
    %lt3A = vector.broadcast %min3A_52 : i32 to vector<1x128xi32>
    %lt3A_210 = arith.cmpi slt, %shift_right_arithmetic3A_204, %lt3A : vector<1x128xi32>
    %and3A_211 = arith.andi %ge3A_209, %lt3A_210 : vector<1x128xi1>
    %ge3A_212 = vector.broadcast %max3A_78 : i32 to vector<1x128xi32>
    %ge3A_213 = arith.cmpi sge, %sub3A_208, %ge3A_212 : vector<1x128xi32>
    %and3A_214 = arith.andi %and3A_211, %ge3A_213 : vector<1x128xi1>
    %lt3A_215 = vector.broadcast %min3A_109 : i32 to vector<1x128xi32>
    %lt3A_216 = arith.cmpi slt, %sub3A_208, %lt3A_215 : vector<1x128xi32>
    %and3A_217 = arith.andi %and3A_214, %lt3A_216 : vector<1x128xi1>
    %jit3A_218 = arith.constant 1.000000e+00 : f32
    %jit3A_219 = arith.constant 0.000000e+00 : f32
    %broadcast_in_dim3A = vector.broadcast %jit3A_218 : f32 to vector<1x128xf32>
    %broadcast_in_dim3A_220 = vector.broadcast %jit3A_219 : f32 to vector<1x128xf32>
    %select_n3A_221 = arith.select %and3A_217, %broadcast_in_dim3A, %broadcast_in_dim3A_220 : vector<1x128xi1>, vector<1x128xf32>
    %get3A_222 = arith.constant 0 : index
    %get3A_223 = arith.constant 0 : index
    %get3A_224 = arith.constant 0 : index
    %get3A_225 = vector.load %arg2[%get3A_222, %get3A_223, %get3A_224] : memref<8x576x128xf32, #tpu.memory_space<vmem>>, vector<8x576x128xf32>
    %reduce_sum3A = arith.constant dense<0.000000e+00> : vector<128xf32>
    %reduce_sum3A_226 = vector.multi_reduction <add>, %get3A_225, %reduce_sum3A [0, 1] : vector<8x576x128xf32> to vector<128xf32>
    %squeeze3A = vector.shape_cast %select_n3A_221 : vector<1x128xf32> to vector<128xf32>
    %mul3A_227 = arith.mulf %reduce_sum3A_226, %squeeze3A : vector<128xf32>
    %reduce_sum3A_228 = vector.shape_cast %mul3A_227 : vector<128xf32> to vector<1x128xf32>
    %reduce_sum3A_229 = arith.constant dense<0.000000e+00> : vector<1xf32>
    %reduce_sum3A_230 = vector.multi_reduction <add>, %reduce_sum3A_228, %reduce_sum3A_229 [1] : vector<1x128xf32> to vector<1xf32>
    %reduce_sum3A_231 = vector.shape_cast %reduce_sum3A_230 : vector<1xf32> to vector<1x1xf32>
    %reduce_sum3A_232 = vector.extract %reduce_sum3A_231[0, 0] : f32 from vector<1x1xf32>
    %swap3A = arith.index_cast %arg0 : i32 to index
    %swap3A_233 = arith.constant 0 : index
    %swap3A_234 = memref.load %arg3[%swap3A, %swap3A_233] : memref<6x1xf32, #tpu.memory_space<smem>>
    memref.store %reduce_sum3A_232, %arg3[%swap3A, %swap3A_233] : memref<6x1xf32, #tpu.memory_space<smem>>
    return
  }
  func.func @transform_0(%arg0: i32, %arg1: memref<4xi32, #tpu.memory_space<smem>>) -> (i32, i32, i32) {
    %get3A = arith.constant 0 : index
    %get3A_0 = memref.load %arg1[%get3A] : memref<4xi32, #tpu.memory_space<smem>>
    %get3A_1 = arith.constant 1 : index
    %get3A_2 = memref.load %arg1[%get3A_1] : memref<4xi32, #tpu.memory_space<smem>>
    %get3A_3 = arith.constant 2 : index
    %get3A_4 = memref.load %arg1[%get3A_3] : memref<4xi32, #tpu.memory_space<smem>>
    %get3A_5 = arith.constant 3 : index
    %get3A_6 = memref.load %arg1[%get3A_5] : memref<4xi32, #tpu.memory_space<smem>>
    %jit3A = arith.constant 16 : i32
    %div3A = arith.divsi %get3A_2, %jit3A : i32
    %sign3A = arith.constant 0 : i32
    %sign3A_7 = arith.cmpi sgt, %get3A_2, %sign3A : i32
    %sign3A_8 = arith.extui %sign3A_7 : i1 to i32
    %sign3A_9 = arith.constant 0 : i32
    %sign3A_10 = arith.cmpi slt, %get3A_2, %sign3A_9 : i32
    %sign3A_11 = arith.extui %sign3A_10 : i1 to i32
    %sign3A_12 = arith.subi %sign3A_8, %sign3A_11 : i32
    %sign3A_13 = arith.constant 0 : i32
    %sign3A_14 = arith.cmpi sgt, %jit3A, %sign3A_13 : i32
    %sign3A_15 = arith.extui %sign3A_14 : i1 to i32
    %sign3A_16 = arith.constant 0 : i32
    %sign3A_17 = arith.cmpi slt, %jit3A, %sign3A_16 : i32
    %sign3A_18 = arith.extui %sign3A_17 : i1 to i32
    %sign3A_19 = arith.subi %sign3A_15, %sign3A_18 : i32
    %ne3A = arith.cmpi ne, %sign3A_12, %sign3A_19 : i32
    %rem3A = arith.remsi %get3A_2, %jit3A : i32
    %ne3A_20 = arith.constant 0 : i32
    %ne3A_21 = arith.cmpi ne, %rem3A, %ne3A_20 : i32
    %and3A = arith.andi %ne3A, %ne3A_21 : i1
    %sub3A = arith.constant 1 : i32
    %sub3A_22 = arith.subi %div3A, %sub3A : i32
    %select_n3A = arith.select %and3A, %sub3A_22, %div3A : i32
    %max3A = arith.constant 0 : i32
    %max3A_23 = arith.maxsi %max3A, %select_n3A : i32
    %add3A = arith.addi %get3A_2, %get3A_6 : i32
    %add3A_24 = arith.constant 16 : i32
    %add3A_25 = arith.addi %add3A, %add3A_24 : i32
    %sub3A_26 = arith.constant 1 : i32
    %sub3A_27 = arith.subi %add3A_25, %sub3A_26 : i32
    %jit3A_28 = arith.constant 16 : i32
    %div3A_29 = arith.divsi %sub3A_27, %jit3A_28 : i32
    %sign3A_30 = arith.constant 0 : i32
    %sign3A_31 = arith.cmpi sgt, %sub3A_27, %sign3A_30 : i32
    %sign3A_32 = arith.extui %sign3A_31 : i1 to i32
    %sign3A_33 = arith.constant 0 : i32
    %sign3A_34 = arith.cmpi slt, %sub3A_27, %sign3A_33 : i32
    %sign3A_35 = arith.extui %sign3A_34 : i1 to i32
    %sign3A_36 = arith.subi %sign3A_32, %sign3A_35 : i32
    %sign3A_37 = arith.constant 0 : i32
    %sign3A_38 = arith.cmpi sgt, %jit3A_28, %sign3A_37 : i32
    %sign3A_39 = arith.extui %sign3A_38 : i1 to i32
    %sign3A_40 = arith.constant 0 : i32
    %sign3A_41 = arith.cmpi slt, %jit3A_28, %sign3A_40 : i32
    %sign3A_42 = arith.extui %sign3A_41 : i1 to i32
    %sign3A_43 = arith.subi %sign3A_39, %sign3A_42 : i32
    %ne3A_44 = arith.cmpi ne, %sign3A_36, %sign3A_43 : i32
    %rem3A_45 = arith.remsi %sub3A_27, %jit3A_28 : i32
    %ne3A_46 = arith.constant 0 : i32
    %ne3A_47 = arith.cmpi ne, %rem3A_45, %ne3A_46 : i32
    %and3A_48 = arith.andi %ne3A_44, %ne3A_47 : i1
    %sub3A_49 = arith.constant 1 : i32
    %sub3A_50 = arith.subi %div3A_29, %sub3A_49 : i32
    %select_n3A_51 = arith.select %and3A_48, %sub3A_50, %div3A_29 : i32
    %min3A = arith.constant 24 : i32
    %min3A_52 = arith.minsi %min3A, %select_n3A_51 : i32
    %jit3A_53 = arith.constant 16 : i32
    %div3A_54 = arith.divsi %get3A_0, %jit3A_53 : i32
    %sign3A_55 = arith.constant 0 : i32
    %sign3A_56 = arith.cmpi sgt, %get3A_0, %sign3A_55 : i32
    %sign3A_57 = arith.extui %sign3A_56 : i1 to i32
    %sign3A_58 = arith.constant 0 : i32
    %sign3A_59 = arith.cmpi slt, %get3A_0, %sign3A_58 : i32
    %sign3A_60 = arith.extui %sign3A_59 : i1 to i32
    %sign3A_61 = arith.subi %sign3A_57, %sign3A_60 : i32
    %sign3A_62 = arith.constant 0 : i32
    %sign3A_63 = arith.cmpi sgt, %jit3A_53, %sign3A_62 : i32
    %sign3A_64 = arith.extui %sign3A_63 : i1 to i32
    %sign3A_65 = arith.constant 0 : i32
    %sign3A_66 = arith.cmpi slt, %jit3A_53, %sign3A_65 : i32
    %sign3A_67 = arith.extui %sign3A_66 : i1 to i32
    %sign3A_68 = arith.subi %sign3A_64, %sign3A_67 : i32
    %ne3A_69 = arith.cmpi ne, %sign3A_61, %sign3A_68 : i32
    %rem3A_70 = arith.remsi %get3A_0, %jit3A_53 : i32
    %ne3A_71 = arith.constant 0 : i32
    %ne3A_72 = arith.cmpi ne, %rem3A_70, %ne3A_71 : i32
    %and3A_73 = arith.andi %ne3A_69, %ne3A_72 : i1
    %sub3A_74 = arith.constant 1 : i32
    %sub3A_75 = arith.subi %div3A_54, %sub3A_74 : i32
    %select_n3A_76 = arith.select %and3A_73, %sub3A_75, %div3A_54 : i32
    %max3A_77 = arith.constant 0 : i32
    %max3A_78 = arith.maxsi %max3A_77, %select_n3A_76 : i32
    %add3A_79 = arith.addi %get3A_0, %get3A_4 : i32
    %add3A_80 = arith.constant 16 : i32
    %add3A_81 = arith.addi %add3A_79, %add3A_80 : i32
    %sub3A_82 = arith.constant 1 : i32
    %sub3A_83 = arith.subi %add3A_81, %sub3A_82 : i32
    %jit3A_84 = arith.constant 16 : i32
    %div3A_85 = arith.divsi %sub3A_83, %jit3A_84 : i32
    %sign3A_86 = arith.constant 0 : i32
    %sign3A_87 = arith.cmpi sgt, %sub3A_83, %sign3A_86 : i32
    %sign3A_88 = arith.extui %sign3A_87 : i1 to i32
    %sign3A_89 = arith.constant 0 : i32
    %sign3A_90 = arith.cmpi slt, %sub3A_83, %sign3A_89 : i32
    %sign3A_91 = arith.extui %sign3A_90 : i1 to i32
    %sign3A_92 = arith.subi %sign3A_88, %sign3A_91 : i32
    %sign3A_93 = arith.constant 0 : i32
    %sign3A_94 = arith.cmpi sgt, %jit3A_84, %sign3A_93 : i32
    %sign3A_95 = arith.extui %sign3A_94 : i1 to i32
    %sign3A_96 = arith.constant 0 : i32
    %sign3A_97 = arith.cmpi slt, %jit3A_84, %sign3A_96 : i32
    %sign3A_98 = arith.extui %sign3A_97 : i1 to i32
    %sign3A_99 = arith.subi %sign3A_95, %sign3A_98 : i32
    %ne3A_100 = arith.cmpi ne, %sign3A_92, %sign3A_99 : i32
    %rem3A_101 = arith.remsi %sub3A_83, %jit3A_84 : i32
    %ne3A_102 = arith.constant 0 : i32
    %ne3A_103 = arith.cmpi ne, %rem3A_101, %ne3A_102 : i32
    %and3A_104 = arith.andi %ne3A_100, %ne3A_103 : i1
    %sub3A_105 = arith.constant 1 : i32
    %sub3A_106 = arith.subi %div3A_85, %sub3A_105 : i32
    %select_n3A_107 = arith.select %and3A_104, %sub3A_106, %div3A_85 : i32
    %min3A_108 = arith.constant 24 : i32
    %min3A_109 = arith.minsi %min3A_108, %select_n3A_107 : i32
    %mul3A = arith.constant 24 : i32
    %mul3A_110 = arith.muli %max3A_23, %mul3A : i32
    %add3A_111 = arith.addi %mul3A_110, %max3A_78 : i32
    %jit3A_112 = arith.constant 128 : i32
    %div3A_113 = arith.divsi %add3A_111, %jit3A_112 : i32
    %sign3A_114 = arith.constant 0 : i32
    %sign3A_115 = arith.cmpi sgt, %add3A_111, %sign3A_114 : i32
    %sign3A_116 = arith.extui %sign3A_115 : i1 to i32
    %sign3A_117 = arith.constant 0 : i32
    %sign3A_118 = arith.cmpi slt, %add3A_111, %sign3A_117 : i32
    %sign3A_119 = arith.extui %sign3A_118 : i1 to i32
    %sign3A_120 = arith.subi %sign3A_116, %sign3A_119 : i32
    %sign3A_121 = arith.constant 0 : i32
    %sign3A_122 = arith.cmpi sgt, %jit3A_112, %sign3A_121 : i32
    %sign3A_123 = arith.extui %sign3A_122 : i1 to i32
    %sign3A_124 = arith.constant 0 : i32
    %sign3A_125 = arith.cmpi slt, %jit3A_112, %sign3A_124 : i32
    %sign3A_126 = arith.extui %sign3A_125 : i1 to i32
    %sign3A_127 = arith.subi %sign3A_123, %sign3A_126 : i32
    %ne3A_128 = arith.cmpi ne, %sign3A_120, %sign3A_127 : i32
    %rem3A_129 = arith.remsi %add3A_111, %jit3A_112 : i32
    %ne3A_130 = arith.constant 0 : i32
    %ne3A_131 = arith.cmpi ne, %rem3A_129, %ne3A_130 : i32
    %and3A_132 = arith.andi %ne3A_128, %ne3A_131 : i1
    %sub3A_133 = arith.constant 1 : i32
    %sub3A_134 = arith.subi %div3A_113, %sub3A_133 : i32
    %select_n3A_135 = arith.select %and3A_132, %sub3A_134, %div3A_113 : i32
    %jit3A_136 = arith.constant 0 : i32
    %jit3A_137 = arith.constant 3 : i32
    %max3A_138 = arith.maxsi %jit3A_136, %select_n3A_135 : i32
    %min3A_139 = arith.minsi %jit3A_137, %max3A_138 : i32
    %c0_i32 = arith.constant 0 : i32
    %c0_i32_140 = arith.constant 0 : i32
    return %arg0, %c0_i32, %min3A_139 : i32, i32, i32
  }
  func.func @transform_1(%arg0: i32, %arg1: memref<4xi32, #tpu.memory_space<smem>>) -> (i32, i32) {
    %c0_i32 = arith.constant 0 : i32
    %c0_i32_0 = arith.constant 0 : i32
    %c0_i32_1 = arith.constant 0 : i32
    return %c0_i32, %c0_i32_0 : i32, i32
  }
}

</mosaic_0001>

<sc_bundles>
// kernel: kernel.4.cloned.1.call-start
scs
__scs_entry_jumppad:
0x0: {  	(pc) =	sbr.rel $0x88, $3  }
0x1: {  	(tag) =	ssettag $0x0;
	lr =	simm.s32 $0x1  }
0x2: {  	[smem:$0x3F9F] =	sst lr;
	_ =	strace $0xD0000000  }
0x3: {  	_ = 	snop  }
0x4: {  	_ = 	snop  }
0x5: {  	_ = 	snop  }
0x6: {  	_ = 	snop  }
0x7: {  	_ = 	snop  }
__scs_overlays_trampoline_lowered:
0x8: {  	[smem:$0x3FAE] =	sst s0  }
0x9: {  	[smem:$0x3FAF] =	sst s1  }
0xa: {  	[smem:$0x3FB0] =	sst s2  }
0xb: {  	[smem:$0x3FB1] =	sst s3  }
0xc: {  	[smem:$0x3FB2] =	sst s4  }
0xd: {  	[smem:$0x3FB3] =	sst s5  }
0xe: {  	[smem:$0x3FB4] =	sst s6  }
0xf: {  	[smem:$0x3FB5] =	sst s7  }
0x10: {  	[smem:$0x3FB6] =	sst s8  }
0x11: {  	[smem:$0x3FB7] =	sst s9;
	s0 =	simm.s32 @!p0 $0x0  }
0x12: {  	s1 =	sld [smem:$0x3F9D];
	s0 =	simm.s32 @p0 $0x1  }
0x13: {  	[smem:$0x3FB8] =	sst s0;
	s0 =	simm.s32 @!p1 $0x0  }
0x14: {  	s2 =	sld [smem:$0x3F9C];
	s0 =	simm.s32 @p1 $0x1  }
0x15: {  	[smem:$0x3FB9] =	sst s0;
	s0 =	simm.s32 @!p2 $0x0  }
0x16: {  	s3 =	sld [smem:$0x3FDB];
	s0 =	simm.s32 @p2 $0x1  }
0x17: {  	s4 =	simm.s32 $0x1BF5;
	[smem:$0x3FBB] =	sst s0  }
0x18: {  	s0 =	sld [smem:$0x3F9E];
	_ =	swait.ge [sflag:s4], $0x0  }
0x19: {  	s7 =	sld [smem:$0x3F9F]  }
0x1a: {  	s8 =	sadd.s32 $0xFFFFE003, lr  }
0x1b: {  	s9 =	sadd.s32 $0xFFFFFEF7, lr;
	s5 =	simm.s32 $0xFFFFFFFF;
	p2 =	slt.u32 s8, $0xFFFFF086  }
0x1c: {  	p1 =	slt.u32 s9, $0xF7A;
	s5 =	simm.s32 @!p2 $0x0  }
0x1d: {  	s5 =	simm.s32 @p1 $0x1;
	p0 =	seq.s32 s7, s2  }
0x1e: {  	s7 =	smul.u32 @!p0 $0xF7A, s2;
	p2 =	seq.s32 @!p0 s5, $0x0  }
0x1f: {  	s9 =	smul.u32 $0xF7A, s1;
	s8 =	simm.s32 @!p0 $0x1BF5;
	p2 =	por !p2, p0  }
0x20: {  	[sflag:s8] =	ssyncset.s32 @!p0 $0xFFFFF086;
	s6 =	sadd.s32 @!p0 s3, s7;
	s7 =	simm.s32 @!p0 $0x108  }
0x21: {  	s3 =	sadd.s32 s3, s9;
	s6 =	sadd.s32 @!p0 $0x88, s6;
	s7 =	simm.s32 @p2 $0x1082  }
0x22: {  	[simem:s7], [sflag:s8] =	dma.local @!p0 [hbm:s6], $0xF7A  }
0x23: {  	s9 =	sor.u32 $0xD0000000, s2;
	s6 =	simm.s32 $0x108;
	_ =	swait.ge @!p0 [sflag:s8], $0x0  }
0x24: {  	s3 =	sadd.s32 $0x88, s3;
	s6 =	simm.s32 @!p1 $0x1082;
	[sflag:s4] =	ssyncset.s32 $0xFFFFF086  }
0x25: {  	[simem:s6], [sflag:s4] =	dma.local [hbm:s3], $0xF7A  }
0x26: {  	[smem:$0x3F9F] =	sst s1;
	(tag) =	ssettag s2;
	_ =	strace s9  }
0x27: {  	s1 =	sld [smem:$0x3FAF]  }
0x28: {  	s2 =	sld [smem:$0x3FB0]  }
0x29: {  	s4 =	sld [smem:$0x3FB2]  }
0x2a: {  	p0 =	seq.s32 s5, $0x0;
	s5 =	sld [smem:$0x3FB3]  }
0x2b: {  	s6 =	sld [smem:$0x3FB4]  }
0x2c: {  	s7 =	sld [smem:$0x3FB5]  }
0x2d: {  	s3 =	simm.s32 $0x108;
	s8 =	sld [smem:$0x3FB6]  }
0x2e: {  	s3 =	simm.s32 @!p0 $0x1082;
	s9 =	sld [smem:$0x3FB7]  }
0x2f: {  	lr =	sadd.s32 s0, s3;
	s0 =	sld [smem:$0x3FAE]  }
0x30: {  	s3 =	sld [smem:$0x3FB1]  }
0x31: {  	[smem:$0x3FBA] =	sst s10  }
0x32: {  	s10 =	sld [smem:$0x3FB8];
	_ =	sdelay $0x3  }
0x33: {  	p0 =	seq.s32 s10, $0x1;
	s10 =	sld [smem:$0x3FBA];
	_ =	sdelay $0x3  }
0x34: {  	[smem:$0x3FBA] =	sst s10  }
0x35: {  	s10 =	sld [smem:$0x3FB9];
	_ =	sdelay $0x3  }
0x36: {  	p1 =	seq.s32 s10, $0x1;
	s10 =	sld [smem:$0x3FBA];
	_ =	sdelay $0x3  }
0x37: {  	[smem:$0x3FBA] =	sst s10  }
0x38: {  	s10 =	sld [smem:$0x3FBB]  }
0x39: {  	_ = 	snop;
	(pc) =	sbr.ind lr, $3  }
0x3a: {  	_ = 	snop  }
0x3b: {  	_ = 	snop  }
0x3c: {  	p2 =	seq.s32 s10, $0x1;
	s10 =	sld [smem:$0x3FBA]  }
0x3d: {  	_ =	shalt  }
0x3e: {  	_ =	shalt  }
0x3f: {  	_ =	shalt  }
0x40: {  	_ =	shalt  }
0x41: {  	_ =	shalt  }
0x42: {  	_ =	shalt  }
0x43: {  	_ =	shalt  }
0x44: {  	_ =	shalt  }
0x45: {  	_ =	shalt  }
0x46: {  	_ =	shalt  }
0x47: {  	_ =	shalt  }
0x48: {  	_ =	shalt  }
0x49: {  	_ =	shalt  }
0x4a: {  	_ =	shalt  }
0x4b: {  	_ =	shalt  }
0x4c: {  	_ =	shalt  }
0x4d: {  	_ =	shalt  }
0x4e: {  	_ =	shalt  }
0x4f: {  	_ =	shalt  }
0x50: {  	_ =	shalt  }
0x51: {  	_ =	shalt  }
0x52: {  	_ =	shalt  }
0x53: {  	_ =	shalt  }
0x54: {  	_ =	shalt  }
0x55: {  	_ =	shalt  }
0x56: {  	_ =	shalt  }
0x57: {  	_ =	shalt  }
0x58: {  	_ =	shalt  }
0x59: {  	_ =	shalt  }
0x5a: {  	_ =	shalt  }
0x5b: {  	_ =	shalt  }
0x5c: {  	_ =	shalt  }
0x5d: {  	_ =	shalt  }
0x5e: {  	_ =	shalt  }
0x5f: {  	_ =	shalt  }
0x60: {  	_ =	shalt  }
0x61: {  	_ =	shalt  }
0x62: {  	_ =	shalt  }
0x63: {  	_ =	shalt  }
0x64: {  	_ =	shalt  }
0x65: {  	_ =	shalt  }
0x66: {  	_ =	shalt  }
0x67: {  	_ =	shalt  }
0x68: {  	_ =	shalt  }
0x69: {  	_ =	shalt  }
0x6a: {  	_ =	shalt  }
0x6b: {  	_ =	shalt  }
0x6c: {  	_ =	shalt  }
0x6d: {  	_ =	shalt  }
0x6e: {  	_ =	shalt  }
0x6f: {  	_ =	shalt  }
0x70: {  	_ =	shalt  }
0x71: {  	_ =	shalt  }
0x72: {  	_ =	shalt  }
0x73: {  	_ =	shalt  }
0x74: {  	_ =	shalt  }
0x75: {  	_ =	shalt  }
0x76: {  	_ =	shalt  }
0x77: {  	_ =	shalt  }
0x78: {  	_ =	shalt  }
0x79: {  	_ =	shalt  }
0x7a: {  	_ =	shalt  }
0x7b: {  	_ =	shalt  }
0x7c: {  	_ =	shalt  }
0x7d: {  	_ =	shalt  }
0x7e: {  	_ =	shalt  }
0x7f: {  	_ =	shalt  }
0x80: {  	_ =	shalt  }
0x81: {  	_ =	shalt  }
0x82: {  	_ =	shalt  }
0x83: {  	_ =	shalt  }
0x84: {  	_ =	shalt  }
0x85: {  	_ =	shalt  }
0x86: {  	_ =	shalt  }
0x87: {  	_ =	shalt  }
.Lfunc_end0:
.L_simem_size_0:
called_computation_lowered:
.L_overlay_start_0:
0x88: {  	s2 =	sld [smem:$0x3FD9]  }
0x89: {  	s3 =	sld [smem:$0x3FFE];
	_ =	sdelay $0x1  }
0x8a: {  	s1 =	srdreg.scid  }
0x8b: {  	s0 =	sand.u32 $0x1, s1  }
0x8c: {  	s17 =	sshll.u32 s0, $0xA;
	s2 =	sadd.s32 s3, s2  }
0x8d: {  	s2 =	sadd.s32 s2, s17  }
0x8e: {  	[smem:$0x3FC6] =	sst s2  }
0x8f: {  	_ = 	snop  }
0x90: {  	s2 =	sld [smem:$0x3FC9]  }
0x91: {  	s18 =	sld [smem:$0x3FC8];
	(tm) =	ssettm $0x1  }
0x92: {  	s4 =	sld [smem:$0x3FFB];
	_ =	sdelay $0x3  }
0x93: {  	_ =	strace s4  }
0x94: {  	s4 =	sld [smem:$0x3FFC];
	_ =	sdelay $0x3  }
0x95: {  	_ =	strace s4  }
0x96: {  	s4 =	sld [smem:$0x3FFD];
	_ =	sdelay $0x3  }
0x97: {  	_ =	strace s4  }
0x98: {  	_ =	strace $0x8FFFFFFF  }
0x99: {  	s19 =	sld [smem:$0x3FDB];
	_ =	sdelay $0x1  }
0x9a: {  	s5 =	simm.s32 $_scs_section_size  }
0x9b: {  	s6 =	simm.s32 $_size__tile_overlayer_lowered;
	s7 =	simm.s32 $_tile_overlayer_lowered  }
0x9c: {  	s22 =	simm.s32 $0x1BFF;
	s21 =	sshll.u32 s7, $0x1;
	s4 =	sadd.s32 s5, s19  }
0x9d: {  	s8 =	simm.s32 $0x0;
	s20 =	sshll.u32 s6, $0x1;
	s6 =	sadd.s32 s21, s4  }
0x9e: {  	[timem:s8], [sflag:s22] =	dma.local [hbm:s6], s20  }
0x9f: {  	_ =	swait.ge [sflag:s22], s20  }
0xa0: {  	s5 =	ssub.s32 $0x0, s20;
	[sflag:s22] =	ssyncset.done $0x0  }
0xa1: {  	[sflag:s22] =	ssyncadd.s32 s5;
	_ =	sdelay $0x1  }
0xa2: {  	s23 =	simm.s32 $0x1B8B  }
0xa3: {  	_ =	swait.ge [sflag:s23], $0x1  }
0xa4: {  	[sflag:s23] =	ssyncset.done $0x0  }
0xa5: {  	s25 =	simm.s32 $0x1B8E;
	s24 =	sld [smem:$0x3FFE];
	[sflag:s23] =	ssyncadd.s32 $0xFFFFFFFF  }
0xa6: {  	s26 =	simm.s32 $execute0_lowered;
	[smem:$0x3FD2] =	sst s25  }
0xa7: {  	s6 =	sshll.u32 s26, $0x1;
	_ =	strace $0x80000046;
	[dreg:$0x1] =	wrdreg $0xFFFFFFFF  }
0xa8: {  	s28 =	simm.s32 $_size_execute0_lowered;
	s4 =	sadd.s32 s4, s6;
	[dreg:$0x0] =	wrdreg $0x0  }
0xa9: {  	s6 =	sshll.u32 s28, $0x1;
	[dreg:$0x2] =	wrdreg s4  }
0xaa: {  	[dreg:$0x3] =	wrdreg s6  }
0xab: {  	[dreg:$0x4] =	wrdreg $0xC0  }
0xac: {  	_ =	task [dreg:s8], $0x5FFFF  }
0xad: {  	[dreg:$0x1] =	wrdreg $0xFFFFFFFF  }
0xae: {  	[dreg:$0x0] =	wrdreg $0x60  }
0xaf: {  	[dreg:$0x2] =	wrdreg s2  }
0xb0: {  	[dreg:$0x3] =	wrdreg s18  }
0xb1: {  	[dreg:$0x4] =	wrdreg s24  }
0xb2: {  	[dreg:$0x5] =	wrdreg $0x9  }
0xb3: {  	_ =	task.clear_ibuf [dreg:s8], $0x6FFFF;
	_ =	strace $0x90000046  }
0xb4: {  	s29 =	simm.s32 $0x9;
	_ =	strace $0x80000048  }
0xb5: {  	_ =	swait.ge [sflag:s29], $0x1  }
0xb6: {  	[sflag:s29] =	ssyncadd.s32 $0xFFFFFFFF  }
0xb7: {  	_ =	strace $0x90000048  }
0xb8: {  	_ =	sfence  }
0xb9: {  	s30 =	sld [smem:$0x0];
	_ =	sdelay $0x2  }
0xba: {  	s31 =	sshll.u32 s1, $0xD;
	s1 =	sshrl.u32 s1, $0x2  }
0xbb: {  	s3 =	sand.u32 $0x4000, s31;
	s1 =	sadd.s32 s1, s30  }
0xbc: {  	s0 =	sor.u32 s3, s0;
	s1 =	sshll.u32 s1, $0x11  }
0xbd: {  	s0 =	sor.u32 s1, s0  }
0xbe: {  	s0 =	sadd.s32 $0x8F2B, s0  }
0xbf: {  	[sflag:s0] =	ssyncadd.remote.s32 $0x1  }
0xc0: {  	_ =	sfence.sel $0xFFFF  }
0xc1: {  	[dreg:$0x0] =	wrdreg $0xFFFFFFFF;
	(pc) =	sbr.abs _section_cstart, $3  }
0xc2: {  	[dreg:$0x1] =	wrdreg $0xFFFFFFFF  }
0xc3: {  	_ =	task.clear_ibuf [dreg:s8], $0x2FFFF;
	_ =	strace $0x9FFFFFFF  }
0xc4: {  	(tm) =	ssettm $0x7FFFFFFF  }
0xc5: {  	_ =	shalt  }
tec
execute0_lowered:
.L_overlay_start_1:
0x0: {  	(tag) =	ssettag $0x1  }
0x1: {  	s2 =	rddreg [dreg:$0x0]  }
0x2: {  	s0 =	rddreg [dreg:$0x2];
	s1 =	srdreg.scid  }
0x3: {  	s3 =	stileid.u32;
	s9 =	simm.s32 $0x0;
	s15 =	simm.s32 $0x400  }
0x4: {  	s16 =	simm.s32 $0x1400;
	s17 =	simm.s32 $0x80;
	s18 =	simm.s32 $0x9080  }
0x5: {  	s19 =	simm.s32 $0x1;
	s1 =	sand.u32 $0x1, s1;
	s3 =	sshll.u32 s3, $0x1  }
0x6: {  	[smem:$0x7FF] =	sst s9;
	s6 =	sadd.s32 $0x200, s0;
	s4 =	ssub.s32 $0x2, s1  }
0x7: {  	s1 =	sor.u32 s1, s3;
	_ =	strace $0x80000047;
	[dreg:$0x4] =	wrdreg s6  }
0x8: {  	s25 =	sshrl.u32 s4, $0x1;
	s5 =	smul.u32 $0x3, s1;
	s30 =	sshll.u32 s1, $0x4  }
0x9: {  	s6 =	simm.s32 $0x2D000;
	s3 =	ssub.s32 s4, s25;
	s0 =	sadd.s32 s0, s30  }
0xa: {  	s26 =	sadd.s32 $0x2, s5;
	s28 =	sshrl.u32 s5, $0x1;
	s7 =	sadd.s32 $0x1, s5  }
0xb: {  	s5 =	sand.u32 $0x1, s5;
	[dreg:$0x8] =	wrdreg s0;
	s31 =	smax.u32 s3, $0x1  }
0xc: {  	s8 =	smul.u32 $0x5A000, s28;
	s29 =	sand.u32 $0x1, s7;
	s7 =	sshrl.u32 s7, $0x1  }
0xd: {  	s4 =	sshrl.u32 s26, $0x1;
	p0 =	seq.s32 s29, $0x1;
	s7 =	smul.u32 $0x5A000, s7  }
0xe: {  	s6 =	simm.s32 @!p0 $0x0;
	p0 =	seq.s32 s5, $0x1;
	s5 =	simm.s32 $0x110D000  }
0xf: {  	[dreg:$0x9] =	wrdreg s31;
	s4 =	smul.u32 $0x5A000, s4;
	s5 =	simm.s32 @!p0 $0x10E0000  }
.Ltmp0:
0x10: {  	s7 =	sadd.s32 s6, s7;
	s8 =	sadd.s32 s8, s5;
	(pc) =	sbr.rel .LBB2_1-.Ltmp0, $4  }
0x11: {  	s20 =	simm.s32 $0x2;
	s7 =	sadd.s32 $0x10E0000, s7;
	[dreg:$0x5] =	wrdreg s8  }
0x12: {  	s6 =	smul.u32 $0x10E000, s1;
	s4 =	sadd.s32 s4, s5;
	[dreg:$0x6] =	wrdreg s7  }
0x13: {  	s22 =	simm.s32 $0x0;
	p0 =	sne.s32 s1, $0x0;
	[dreg:$0x7] =	wrdreg s4  }
0x14: {  	v0 =	vimm.f32 $0.0e+00;
	v1 =	vimm.s32 $0x0;
	s10 =	sadd.s32 $0x5A000, s6;
	s11 =	sadd.s32 $0xB4000, s6;
	s4 =	simm.s32 $0x3  }
.LBB2_25:
0x15: {  	s0 =	ssub.s32 @!p0 s25, s23;
	s1 =	ssub.s32 @!p0 s14, s24  }
0x16: {  	p1 =	sgt.s32 @!p0 s0, $0x0;
	p2 =	sgt.s32 @!p0 s1, $0x0  }
0x17: {  	p1 =	por !p1, p0;
	p2 =	por !p2, p0  }
0x18: {  	s0 =	simm.s32 @p1 $0x0;
	s1 =	simm.s32 @p2 $0x0  }
0x19: {  	s0 =	smul.u32 @!p0 s1, s0  }
0x1a: {  	s9 =	simm.s32 $0x0  }
0x1b: {  	s29 =	rddreg [dreg:$0x8];
	s30 =	simm.s32 $0x12080;
	s4 =	simm.s32 $0x3;
	v2 =	vmov @!p0 s0  }
0x1c: {  	[hbm4b:s29+s9] =	stream.linear.scatter [tilespmem:s30], [sflag:$0x3], $0x80, $0x38;
	v2 =	vcvt.s32.f32 @!p0 v2;
	[tilespmem:$0x12100] =	vst v63  }
0x1d: {  	_ =	swait.ge [sflag:s4], $0x80  }
0x1e: {  	[sflag:s4] =	ssyncset.done $0x0;
	v2 =	vbroadcast @!p0 v2, $0x0  }
0x1f: {  	[sflag:s4] =	ssyncadd.s32 $0xFFFFFF80  }
0x20: {  	s3 =	rddreg [dreg:$0x4];
	s1 =	simm.s32 @!p0 $0x12080;
	s0 =	simm.s32 @!p0 $0x0;
	[tilespmem:$0x12080] =	vst @!p0 v2  }
0x21: {  	[hbm4b:s3+s0] =	stream.linear.scatter @!p0 [tilespmem:s1], [sflag:$0x3], $0x80, $0x38;
	[tilespmem:$0x12100] =	vst v63  }
0x22: {  	s0 =	simm.s32 @!p0 $0x3  }
0x23: {  	_ =	swait.ge @!p0 [sflag:s0], $0x80  }
0x24: {  	s22 =	sadd.s32 $0x1, s22;
	s31 =	rddreg [dreg:$0x9]  }
0x25: {  	p1 =	sne.s32 s22, s31  }
.Ltmp1:
0x26: {  	_ = 	snop;
	(pc) =	sbr.rel @!p1 .LBB2_26-.Ltmp1, $3  }
0x27: {  	_ =	sdelay $0x1  }
0x28: {  	[sflag:s0] =	ssyncset.done @!p0 $0x0  }
0x29: {  	[sflag:s0] =	ssyncadd.s32 @!p0 $0xFFFFFF80  }
.LBB2_1:
0x2a: {  	s0 =	rddreg [dreg:$0x1]  }
0x2b: {  	[tilespmem:s9], [sflag:$0x3] =	stream.linear.gather [hbm4b:s0+s9], $0x4, $0x38;
	[tilespmem:$0x12100] =	vst v63  }
0x2c: {  	_ =	swait.ge [sflag:s4], $0x4  }
0x2d: {  	[sflag:s4] =	ssyncset.done $0x0  }
0x2e: {  	[sflag:s4] =	ssyncadd.s32 $0xFFFFFFFC  }
0x2f: {  	v2 =	vld [tilespmem:$0x0];
	_ =	sdelay $0x4  }
0x30: {  	(v2sf) =	vpush v2, $0x0  }
0x31: {  	(v2sf) =	vpush v2, $0x1;
	_ =	sdelay $0x4  }
0x32: {  	(v2sf) =	vpush v2, $0x2  }
0x33: {  	(v2sf) =	vpush v2, $0x3;
	_ =	sdelay $0x7  }
0x34: {  	s8 =	spop (v2sf)  }
0x35: {  	s1 =	spop (v2sf)  }
0x36: {  	s23 =	sshra.s32 s1, $0x4  }
0x37: {  	p1 =	sgt.s32 s23, $0x0  }
0x38: {  	s24 =	sshra.s32 s8, $0x4;
	s23 =	simm.s32 @!p1 $0x0  }
0x39: {  	s7 =	simm.s32 $0x0;
	p1 =	sgt.s32 s24, $0x0;
	s3 =	smul.u32 $0x18, s23  }
0x3a: {  	s13 =	rddreg [dreg:$0x5];
	s9 =	spop (v2sf);
	s24 =	simm.s32 @!p1 $0x0  }
0x3b: {  	s21 =	rddreg [dreg:$0x6];
	s5 =	spop (v2sf);
	s3 =	sadd.s32 s24, s3  }
0x3c: {  	s26 =	rddreg [dreg:$0x7];
	s1 =	sadd.s32 s1, s5;
	s3 =	sshra.s32 s3, $0x7  }
0x3d: {  	s0 =	sadd.s32 s8, s9;
	s1 =	sadd.s32 $0xF, s1;
	p1 =	sgt.s32 s3, $0x0  }
0x3e: {  	s0 =	sadd.s32 $0xF, s0;
	s25 =	sshra.s32 s1, $0x4;
	s3 =	simm.s32 @!p1 $0x0  }
0x3f: {  	s14 =	sshra.s32 s0, $0x4;
	p1 =	slt.s32 s25, $0x18;
	s28 =	smin.u32 s3, $0x3  }
0x40: {  	s25 =	simm.s32 @!p1 $0x18;
	p1 =	slt.s32 s14, $0x18;
	s12 =	sshll.u32 s28, $0xA  }
.Ltmp2:
0x41: {  	s14 =	simm.s32 @!p1 $0x18;
	s1 =	sor.u32 s12, s13;
	(pc) =	sbr.rel .LBB2_2-.Ltmp2, $4  }
0x42: {  	s3 =	sor.u32 s12, s21;
	s0 =	sor.u32 s12, s26;
	s21 =	simm.s32 $0x0  }
0x43: {  	s1 =	sshrl.u32 s1, $0x3;
	s3 =	sshrl.u32 s3, $0x3;
	s0 =	sshrl.u32 s0, $0x3  }
0x44: {  	v7 =	vlaneseq.u32;
	v6 =	vimm.s32 $0x0;
	v2 =	vmov s23;
	s29 =	sadd.s32 s2, s1;
	s30 =	sadd.s32 s2, s3;
	s31 =	sadd.s32 s2, s0  }
0x45: {  	[tilespmem:$0x12080] =	vst v0;
	v4 =	vmov s24;
	v3 =	vmov s25;
	v5 =	vmov s14;
	s0 =	simm.s32 $0x0;
	s1 =	simm.s32 $0x0;
	s3 =	simm.s32 $0x0  }
.LBB2_24:
0x46: {  	s21 =	sadd.s32 $0x1, s21  }
0x47: {  	p2 =	sne.s32 s21, $0x20  }
.Ltmp3:
0x48: {  	_ = 	snop;
	(pc) =	sbr.rel @!p2 .LBB2_25-.Ltmp3, $4  }
0x49: {  	v8 =	vadd.s32 $0x10, v7  }
0x4a: {  	p1 =	sgt.s32 s4, $0x17;
	vm0 =	vgt.s32 v8, $0x17  }
0x4b: {  	v7 =	vadd.s32 $0xFFFFFFF8, v7;
	s1 =	sadd.s32 $0x10, s1;
	s4 =	smov.u32 @p1 s5;
	v9 =	vsel vm0, $0x1, v1  }
0x4c: {  	s0 =	sadd.s32 $0x1, s0;
	s3 =	smov.u32 @p1 s7;
	v7 =	vsel vm0, v7, v8;
	s7 =	smov.u32 s4;
	v6 =	vadd.s32 v9, v6  }
.LBB2_2:
0x4d: {  	s8 =	sshrl.u32 s21, $0x3  }
0x4e: {  	s5 =	sadd.s32 $0xFFFFFFF8, s7;
	p1 =	sgt.s32 s7, s24;
	s4 =	sshll.u32 s8, $0x7  }
0x4f: {  	s12 =	smov.u32 s24;
	s13 =	smov.u32 s14;
	s4 =	ssub.s32 s1, s4  }
0x50: {  	s26 =	smov.u32 s14;
	s9 =	sshll.u32 s4, $0x2;
	s4 =	sadd.s32 $0x10, s7  }
0x51: {  	p2 =	slt.s32 s5, s14;
	s12 =	smov.u32 @p1 s7;
	p1 =	slt.s32 s4, s14  }
0x52: {  	s13 =	smov.u32 @p2 s5;
	s7 =	sadd.s32 $0x1, s3;
	s26 =	smov.u32 @p1 s4  }
0x53: {  	p5 =	slt.s32 s24, s13;
	p3 =	slt.s32 s7, s25;
	p2 =	slt.s32 s26, $0x18  }
0x54: {  	p4 =	slt.s32 s3, s25;
	p1 =	por !p3, !p5;
	s26 =	simm.s32 @!p2 $0x18  }
0x55: {  	p6 =	sge.s32 s7, s23;
	p1 =	por !p1, !p1;
	p2 =	slt.s32 s12, s26  }
0x56: {  	p5 =	sge.s32 s3, s23;
	p1 =	por !p1, !p6;
	p2 =	por !p4, !p2  }
0x57: {  	p1 =	por !p1, !p1;
	p4 =	sgt.s32 s4, $0x18;
	p2 =	por !p2, !p2  }
0x58: {  	p1 =	por !p4, !p1;
	p2 =	por !p2, !p5  }
0x59: {  	p1 =	por !p1, !p1;
	p2 =	por !p2, !p2  }
0x5a: {  	p6 =	sne.s32 s8, s28;
	p1 =	por p2, p1  }
0x5b: {  	p2 =	por p6, !p1  }
.Ltmp4:
0x5c: {  	vm0 =	vge.s32 v6, v2;
	vm1 =	vge.s32 v7, v4;
	s26 =	sand.u32 $0x7, s0;
	(pc) =	sbr.rel @p2 .LBB2_10-.Ltmp4, $4  }
0x5d: {  	vm2 =	vlt.s32 v6, v3;
	vm0 =	vmand vm0, vm1;
	s9 =	sand.u32 $0xFFFFFE00, s9;
	s12 =	sshll.u32 s26, $0x6  }
0x5e: {  	vm15 =	vlt.s32 v7, v5;
	vm0 =	vmand vm0, vm2;
	s9 =	sor.u32 s12, s9  }
0x5f: {  	vm0 =	vmand vm15, vm0;
	s12 =	sshra.s32 s9, $0x2  }
0x60: {  	v8 =	vsel vm0, $0x3F800000, v0;
	s9 =	sadd.s32 $0x9180, s12;
	s12 =	sadd.s32 $0x180, s12  }
0x61: {  	[tilespmem:s17], [sflag:$0x1] =	stream.strided.gather [hbm4b:s29+s15], $0x9000, s16, s15, $0x38;
	[tilespmem:$0x12100] =	vst v63  }
0x62: {  	v9 =	vmov s12  }
0x63: {  	[tilespmem:s18], [sflag:$0x2] =	stream.strided.gather [hbm4b:s30+s15], $0x9000, s16, s15, $0x38;
	[tilespmem:$0x12100] =	vst v63  }
0x64: {  	_ =	swait.ge [sflag:s19], $0x9000  }
0x65: {  	[sflag:s19] =	ssyncset.done $0x0  }
0x66: {  	s26 =	simm.s32 $0x0;
	[sflag:s19] =	ssyncadd.s32 $0xFFFF7000  }
0x67: {  	v10 =	vld.idx.msk [tilespmem:v9+s26+$0x80 ss:$0x1], $0xffff  }
0x68: {  	v11 =	vld.idx.msk [tilespmem:v9+s26+$0xFFFFFF00 ss:$0x1], $0xffff  }
0x69: {  	v13 =	vimm.f32 $0.0e+00;
	v12 =	vld.idx.msk [tilespmem:v9+s26+$0xFFFFFF80 ss:$0x1], $0xffff  }
0x6a: {  	s13 =	simm.s32 $0x800;
	v16 =	vimm.f32 $0.0e+00;
	v18 =	vimm.f32 $0.0e+00;
	v19 =	vimm.f32 $0.0e+00;
	v17 =	vld.idx.msk [tilespmem:v9+s26+$0x0 ss:$0x1], $0xffff  }
.LBB2_4:
0x6b: {  	p2 =	sne.s32 s13, $0x23800  }
.Ltmp5:
0x6c: {  	s26 =	sshra.s32 s13, $0x2;
	s13 =	sadd.s32 $0x800, s13;
	(pc) =	sbr.rel @p2 .LBB2_4-.Ltmp5, $4  }
0x6d: {  	v13 =	vadd.f32 v10, v13;
	v10 =	vld.idx.msk [tilespmem:v9+s26+$0x80 ss:$0x1], $0xffff  }
0x6e: {  	v16 =	vadd.f32 v11, v16;
	v11 =	vld.idx.msk [tilespmem:v9+s26+$0xFFFFFF00 ss:$0x1], $0xffff  }
0x6f: {  	v18 =	vadd.f32 v12, v18;
	v12 =	vld.idx.msk [tilespmem:v9+s26+$0xFFFFFF80 ss:$0x1], $0xffff  }
0x70: {  	v19 =	vadd.f32 v17, v19;
	v17 =	vld.idx.msk [tilespmem:v9+s26+$0x0 ss:$0x1], $0xffff  }
0x71: {  	v14 =	vmov s9  }
0x72: {  	[tilespmem:s17], [sflag:$0x1] =	stream.strided.gather [hbm4b:s31+s15], $0x9000, s16, s15, $0x38;
	[tilespmem:$0x12100] =	vst v63  }
0x73: {  	_ =	swait.ge [sflag:s20], $0x9000  }
0x74: {  	[sflag:s20] =	ssyncset.done $0x0  }
0x75: {  	s26 =	simm.s32 $0x0;
	[sflag:s20] =	ssyncadd.s32 $0xFFFF7000  }
0x76: {  	v15 =	vld.idx.msk [tilespmem:v14+s26+$0x80 ss:$0x1], $0xffff  }
0x77: {  	v23 =	vimm.f32 $0.0e+00;
	v11 =	vadd.f32 v11, v16;
	v16 =	vld.idx.msk [tilespmem:v14+s26+$0xFFFFFF00 ss:$0x1], $0xffff  }
0x78: {  	v21 =	vimm.f32 $0.0e+00;
	v10 =	vadd.f32 v10, v13;
	v13 =	vadd.f32 v17, v19;
	v17 =	vld.idx.msk [tilespmem:v14+s26+$0xFFFFFF80 ss:$0x1], $0xffff  }
0x79: {  	s13 =	simm.s32 $0x800;
	v22 =	vimm.f32 $0.0e+00;
	v12 =	vadd.f32 v12, v18;
	v19 =	vimm.f32 $0.0e+00;
	v20 =	vld.idx.msk [tilespmem:v14+s26+$0x0 ss:$0x1], $0xffff  }
.LBB2_6:
0x7a: {  	p2 =	sne.s32 s13, $0x23800  }
.Ltmp6:
0x7b: {  	s26 =	sshra.s32 s13, $0x2;
	s13 =	sadd.s32 $0x800, s13;
	(pc) =	sbr.rel @p2 .LBB2_6-.Ltmp6, $4  }
0x7c: {  	v19 =	vadd.f32 v15, v19;
	v15 =	vld.idx.msk [tilespmem:v14+s26+$0x80 ss:$0x1], $0xffff  }
0x7d: {  	v23 =	vadd.f32 v16, v23;
	v16 =	vld.idx.msk [tilespmem:v14+s26+$0xFFFFFF00 ss:$0x1], $0xffff  }
0x7e: {  	v21 =	vadd.f32 v17, v21;
	v17 =	vld.idx.msk [tilespmem:v14+s26+$0xFFFFFF80 ss:$0x1], $0xffff  }
0x7f: {  	v22 =	vadd.f32 v20, v22;
	v20 =	vld.idx.msk [tilespmem:v14+s26+$0x0 ss:$0x1], $0xffff  }
0x80: {  	_ = 	snop  }
0x81: {  	_ =	swait.ge [sflag:s19], $0x9000  }
0x82: {  	[sflag:s19] =	ssyncset.done $0x0  }
0x83: {  	s26 =	simm.s32 $0x0;
	[sflag:s19] =	ssyncadd.s32 $0xFFFF7000  }
0x84: {  	v18 =	vld.idx.msk [tilespmem:v9+s26+$0x80 ss:$0x1], $0xffff  }
0x85: {  	v25 =	vimm.f32 $0.0e+00;
	v14 =	vadd.f32 v15, v19;
	v19 =	vld.idx.msk [tilespmem:v9+s26+$0xFFFFFF00 ss:$0x1], $0xffff  }
0x86: {  	v24 =	vimm.f32 $0.0e+00;
	v15 =	vadd.f32 v16, v23;
	v16 =	vadd.f32 v17, v21;
	v21 =	vld.idx.msk [tilespmem:v9+s26+$0x0 ss:$0x1], $0xffff  }
0x87: {  	s13 =	simm.s32 $0x800;
	v23 =	vimm.f32 $0.0e+00;
	v17 =	vadd.f32 v20, v22;
	v22 =	vimm.f32 $0.0e+00;
	v20 =	vld.idx.msk [tilespmem:v9+s26+$0xFFFFFF80 ss:$0x1], $0xffff  }
.LBB2_8:
0x88: {  	p2 =	sne.s32 s13, $0x23800  }
.Ltmp7:
0x89: {  	s26 =	sshra.s32 s13, $0x2;
	s13 =	sadd.s32 $0x800, s13;
	(pc) =	sbr.rel @p2 .LBB2_8-.Ltmp7, $4  }
0x8a: {  	v22 =	vadd.f32 v18, v22;
	v18 =	vld.idx.msk [tilespmem:v9+s26+$0x80 ss:$0x1], $0xffff  }
0x8b: {  	v25 =	vadd.f32 v19, v25;
	v19 =	vld.idx.msk [tilespmem:v9+s26+$0xFFFFFF00 ss:$0x1], $0xffff  }
0x8c: {  	v23 =	vadd.f32 v20, v23;
	v20 =	vld.idx.msk [tilespmem:v9+s26+$0xFFFFFF80 ss:$0x1], $0xffff  }
0x8d: {  	v24 =	vadd.f32 v21, v24;
	v21 =	vld.idx.msk [tilespmem:v9+s26+$0x0 ss:$0x1], $0xffff  }
0x8e: {  	v9 =	vadd.f32 v12, v11  }
0x8f: {  	v10 =	vadd.f32 v10, v13;
	v61 =	vadd.f32 v14, v17  }
0x90: {  	v11 =	vadd.f32 v18, v22;
	v60 =	vadd.f32 v19, v25  }
0x91: {  	v9 =	vadd.f32 v10, v9;
	v10 =	vadd.f32 v16, v15  }
0x92: {  	v62 =	vadd.f32 v20, v23;
	v63 =	vadd.f32 v21, v24  }
0x93: {  	v9 =	vadd.f32 $0.0e+00, v9;
	v10 =	vadd.f32 v61, v10  }
0x94: {  	v12 =	vadd.f32 v62, v60;
	v11 =	vadd.f32 v11, v63;
	_ =	sdelay $0x1  }
0x95: {  	v9 =	vadd.f32 v10, v9;
	v10 =	vadd.f32 v11, v12  }
0x96: {  	v11 =	vld [tilespmem:$0x12080]  }
0x97: {  	v9 =	vadd.f32 v10, v9;
	_ =	sdelay $0x1  }
0x98: {  	v9 =	vmul.f32 v9, v8;
	_ =	sdelay $0x1  }
0x99: {  	v9 =	vadd.f32 v11, v9;
	_ =	sdelay $0x1  }
0x9a: {  	[tilespmem:$0x12080] =	vst v9  }
.LBB2_10:
0x9b: {  	p2 =	seq.s32 s8, s28;
	p1 =	por !p1, !p1  }
0x9c: {  	p1 =	por p2, p1  }
.Ltmp8:
0x9d: {  	_ = 	snop;
	(pc) =	sbr.rel @p1 .LBB2_24-.Ltmp8, $1  }
0x9e: {  	_ =	sdelay $0x3  }
0x9f: {  	s8 =	sshll.u32 s8, $0xA  }
0xa0: {  	s13 =	sor.u32 s6, s8  }
0xa1: {  	s13 =	sshrl.u32 s13, $0x3  }
0xa2: {  	s13 =	sadd.s32 s2, s13  }
0xa3: {  	[tilespmem:s17], [sflag:$0x1] =	stream.strided.gather [hbm4b:s13+s15], $0x9000, s16, s15, $0x38;
	[tilespmem:$0x12100] =	vst v63  }
0xa4: {  	v9 =	vmov s12;
	s13 =	sadd.s32 $0x5A00, s13  }
0xa5: {  	[tilespmem:s18], [sflag:$0x2] =	stream.strided.gather [hbm4b:s13+s15], $0x9000, s16, s15, $0x38;
	[tilespmem:$0x12100] =	vst v63  }
0xa6: {  	_ =	swait.ge [sflag:s19], $0x9000  }
0xa7: {  	[sflag:s19] =	ssyncset.done $0x0  }
0xa8: {  	s26 =	simm.s32 $0x0;
	[sflag:s19] =	ssyncadd.s32 $0xFFFF7000  }
0xa9: {  	v11 =	vld.idx.msk [tilespmem:v9+s26+$0x80 ss:$0x1], $0xffff  }
0xaa: {  	v12 =	vld.idx.msk [tilespmem:v9+s26+$0xFFFFFF00 ss:$0x1], $0xffff  }
0xab: {  	v14 =	vimm.f32 $0.0e+00;
	v13 =	vld.idx.msk [tilespmem:v9+s26+$0xFFFFFF80 ss:$0x1], $0xffff  }
0xac: {  	s12 =	simm.s32 $0x800;
	v17 =	vimm.f32 $0.0e+00;
	v18 =	vimm.f32 $0.0e+00;
	v19 =	vimm.f32 $0.0e+00;
	v16 =	vld.idx.msk [tilespmem:v9+s26+$0x0 ss:$0x1], $0xffff  }
.LBB2_12:
0xad: {  	p1 =	sne.s32 s12, $0x23800  }
.Ltmp9:
0xae: {  	s13 =	sshra.s32 s12, $0x2;
	s12 =	sadd.s32 $0x800, s12;
	(pc) =	sbr.rel @p1 .LBB2_12-.Ltmp9, $4  }
0xaf: {  	v14 =	vadd.f32 v11, v14;
	v11 =	vld.idx.msk [tilespmem:v9+s13+$0x80 ss:$0x1], $0xffff  }
0xb0: {  	v17 =	vadd.f32 v12, v17;
	v12 =	vld.idx.msk [tilespmem:v9+s13+$0xFFFFFF00 ss:$0x1], $0xffff  }
0xb1: {  	v18 =	vadd.f32 v13, v18;
	v13 =	vld.idx.msk [tilespmem:v9+s13+$0xFFFFFF80 ss:$0x1], $0xffff  }
0xb2: {  	v19 =	vadd.f32 v16, v19;
	v16 =	vld.idx.msk [tilespmem:v9+s13+$0x0 ss:$0x1], $0xffff  }
0xb3: {  	s12 =	sadd.s32 s10, s8  }
0xb4: {  	s12 =	sshrl.u32 s12, $0x3  }
0xb5: {  	v10 =	vmov s9;
	s12 =	sadd.s32 s2, s12  }
0xb6: {  	[tilespmem:s17], [sflag:$0x1] =	stream.strided.gather [hbm4b:s12+s15], $0x9000, s16, s15, $0x38;
	[tilespmem:$0x12100] =	vst v63  }
0xb7: {  	_ =	swait.ge [sflag:s20], $0x9000  }
0xb8: {  	[sflag:s20] =	ssyncset.done $0x0  }
0xb9: {  	s13 =	simm.s32 $0x0;
	[sflag:s20] =	ssyncadd.s32 $0xFFFF7000  }
0xba: {  	v15 =	vld.idx.msk [tilespmem:v10+s13+$0x80 ss:$0x1], $0xffff  }
0xbb: {  	v20 =	vimm.f32 $0.0e+00;
	v12 =	vadd.f32 v12, v17;
	v17 =	vld.idx.msk [tilespmem:v10+s13+$0xFFFFFF00 ss:$0x1], $0xffff  }
0xbc: {  	v22 =	vimm.f32 $0.0e+00;
	v23 =	vimm.f32 $0.0e+00;
	v13 =	vadd.f32 v13, v18;
	v18 =	vld.idx.msk [tilespmem:v10+s13+$0xFFFFFF80 ss:$0x1], $0xffff  }
0xbd: {  	s9 =	simm.s32 $0x800;
	v11 =	vadd.f32 v11, v14;
	v14 =	vadd.f32 v16, v19;
	v16 =	vimm.f32 $0.0e+00;
	v21 =	vld.idx.msk [tilespmem:v10+s13+$0x0 ss:$0x1], $0xffff  }
.LBB2_14:
0xbe: {  	p1 =	sne.s32 s9, $0x23800  }
.Ltmp10:
0xbf: {  	s13 =	sshra.s32 s9, $0x2;
	s9 =	sadd.s32 $0x800, s9;
	(pc) =	sbr.rel @p1 .LBB2_14-.Ltmp10, $4  }
0xc0: {  	v16 =	vadd.f32 v15, v16;
	v15 =	vld.idx.msk [tilespmem:v10+s13+$0x80 ss:$0x1], $0xffff  }
0xc1: {  	v20 =	vadd.f32 v17, v20;
	v17 =	vld.idx.msk [tilespmem:v10+s13+$0xFFFFFF00 ss:$0x1], $0xffff  }
0xc2: {  	v22 =	vadd.f32 v18, v22;
	v18 =	vld.idx.msk [tilespmem:v10+s13+$0xFFFFFF80 ss:$0x1], $0xffff  }
0xc3: {  	v23 =	vadd.f32 v21, v23;
	v21 =	vld.idx.msk [tilespmem:v10+s13+$0x0 ss:$0x1], $0xffff  }
0xc4: {  	s9 =	sadd.s32 $0x5A00, s12  }
0xc5: {  	[tilespmem:s18], [sflag:$0x2] =	stream.strided.gather [hbm4b:s9+s15], $0x9000, s16, s15, $0x38;
	[tilespmem:$0x12100] =	vst v63  }
0xc6: {  	_ =	swait.ge [sflag:s19], $0x9000  }
0xc7: {  	[sflag:s19] =	ssyncset.done $0x0  }
0xc8: {  	s26 =	simm.s32 $0x0;
	[sflag:s19] =	ssyncadd.s32 $0xFFFF7000  }
0xc9: {  	v19 =	vld.idx.msk [tilespmem:v9+s26+$0x80 ss:$0x1], $0xffff  }
0xca: {  	v15 =	vadd.f32 v15, v16;
	v16 =	vadd.f32 v17, v20;
	v20 =	vld.idx.msk [tilespmem:v9+s26+$0xFFFFFF00 ss:$0x1], $0xffff  }
0xcb: {  	v24 =	vimm.f32 $0.0e+00;
	v17 =	vadd.f32 v18, v22;
	v18 =	vadd.f32 v21, v23;
	v21 =	vld.idx.msk [tilespmem:v9+s26+$0xFFFFFF80 ss:$0x1], $0xffff  }
0xcc: {  	v26 =	vimm.f32 $0.0e+00;
	v27 =	vimm.f32 $0.0e+00;
	s9 =	simm.s32 $0x800;
	v22 =	vimm.f32 $0.0e+00;
	v25 =	vld.idx.msk [tilespmem:v9+s26+$0x0 ss:$0x1], $0xffff  }
.LBB2_16:
0xcd: {  	p1 =	sne.s32 s9, $0x23800  }
.Ltmp11:
0xce: {  	s12 =	sshra.s32 s9, $0x2;
	s9 =	sadd.s32 $0x800, s9;
	(pc) =	sbr.rel @p1 .LBB2_16-.Ltmp11, $4  }
0xcf: {  	v22 =	vadd.f32 v19, v22;
	v19 =	vld.idx.msk [tilespmem:v9+s12+$0x80 ss:$0x1], $0xffff  }
0xd0: {  	v24 =	vadd.f32 v20, v24;
	v20 =	vld.idx.msk [tilespmem:v9+s12+$0xFFFFFF00 ss:$0x1], $0xffff  }
0xd1: {  	v26 =	vadd.f32 v21, v26;
	v21 =	vld.idx.msk [tilespmem:v9+s12+$0xFFFFFF80 ss:$0x1], $0xffff  }
0xd2: {  	v27 =	vadd.f32 v25, v27;
	v25 =	vld.idx.msk [tilespmem:v9+s12+$0x0 ss:$0x1], $0xffff  }
0xd3: {  	s8 =	sadd.s32 s11, s8  }
0xd4: {  	s8 =	sshrl.u32 s8, $0x3  }
0xd5: {  	s8 =	sadd.s32 s2, s8  }
0xd6: {  	[tilespmem:s17], [sflag:$0x1] =	stream.strided.gather [hbm4b:s8+s15], $0x9000, s16, s15, $0x38;
	[tilespmem:$0x12100] =	vst v63  }
0xd7: {  	_ =	swait.ge [sflag:s20], $0x9000  }
0xd8: {  	[sflag:s20] =	ssyncset.done $0x0  }
0xd9: {  	s12 =	simm.s32 $0x0;
	[sflag:s20] =	ssyncadd.s32 $0xFFFF7000  }
0xda: {  	v23 =	vld.idx.msk [tilespmem:v10+s12+$0x80 ss:$0x1], $0xffff  }
0xdb: {  	v28 =	vimm.f32 $0.0e+00;
	v20 =	vadd.f32 v20, v24;
	v24 =	vld.idx.msk [tilespmem:v10+s12+$0xFFFFFF00 ss:$0x1], $0xffff  }
0xdc: {  	v30 =	vimm.f32 $0.0e+00;
	v19 =	vadd.f32 v19, v22;
	v22 =	vadd.f32 v25, v27;
	v25 =	vld.idx.msk [tilespmem:v10+s12+$0xFFFFFF80 ss:$0x1], $0xffff  }
0xdd: {  	s9 =	simm.s32 $0x800;
	v31 =	vimm.f32 $0.0e+00;
	v21 =	vadd.f32 v21, v26;
	v26 =	vimm.f32 $0.0e+00;
	v29 =	vld.idx.msk [tilespmem:v10+s12+$0x0 ss:$0x1], $0xffff  }
.LBB2_18:
0xde: {  	p1 =	sne.s32 s9, $0x23800  }
.Ltmp12:
0xdf: {  	s12 =	sshra.s32 s9, $0x2;
	s9 =	sadd.s32 $0x800, s9;
	(pc) =	sbr.rel @p1 .LBB2_18-.Ltmp12, $4  }
0xe0: {  	v26 =	vadd.f32 v23, v26;
	v23 =	vld.idx.msk [tilespmem:v10+s12+$0x80 ss:$0x1], $0xffff  }
0xe1: {  	v28 =	vadd.f32 v24, v28;
	v24 =	vld.idx.msk [tilespmem:v10+s12+$0xFFFFFF00 ss:$0x1], $0xffff  }
0xe2: {  	v30 =	vadd.f32 v25, v30;
	v25 =	vld.idx.msk [tilespmem:v10+s12+$0xFFFFFF80 ss:$0x1], $0xffff  }
0xe3: {  	v31 =	vadd.f32 v29, v31;
	v29 =	vld.idx.msk [tilespmem:v10+s12+$0x0 ss:$0x1], $0xffff  }
0xe4: {  	s8 =	sadd.s32 $0x5A00, s8  }
0xe5: {  	[tilespmem:s18], [sflag:$0x2] =	stream.strided.gather [hbm4b:s8+s15], $0x9000, s16, s15, $0x38;
	[tilespmem:$0x12100] =	vst v63  }
0xe6: {  	_ =	swait.ge [sflag:s19], $0x9000  }
0xe7: {  	[sflag:s19] =	ssyncset.done $0x0  }
0xe8: {  	s9 =	simm.s32 $0x0;
	[sflag:s19] =	ssyncadd.s32 $0xFFFF7000  }
0xe9: {  	v27 =	vld.idx.msk [tilespmem:v9+s9+$0x80 ss:$0x1], $0xffff  }
0xea: {  	v32 =	vimm.f32 $0.0e+00;
	v24 =	vadd.f32 v24, v28;
	v28 =	vld.idx.msk [tilespmem:v9+s9+$0xFFFFFF00 ss:$0x1], $0xffff  }
0xeb: {  	v34 =	vimm.f32 $0.0e+00;
	v23 =	vadd.f32 v23, v26;
	v26 =	vadd.f32 v29, v31;
	v29 =	vld.idx.msk [tilespmem:v9+s9+$0xFFFFFF80 ss:$0x1], $0xffff  }
0xec: {  	v35 =	vimm.f32 $0.0e+00;
	s8 =	simm.s32 $0x800;
	v25 =	vadd.f32 v25, v30;
	v31 =	vimm.f32 $0.0e+00;
	v33 =	vld.idx.msk [tilespmem:v9+s9+$0x0 ss:$0x1], $0xffff  }
.LBB2_20:
0xed: {  	p1 =	sne.s32 s8, $0x23800  }
.Ltmp13:
0xee: {  	s9 =	sshra.s32 s8, $0x2;
	s8 =	sadd.s32 $0x800, s8;
	(pc) =	sbr.rel @p1 .LBB2_20-.Ltmp13, $4  }
0xef: {  	v31 =	vadd.f32 v27, v31;
	v27 =	vld.idx.msk [tilespmem:v9+s9+$0x80 ss:$0x1], $0xffff  }
0xf0: {  	v32 =	vadd.f32 v28, v32;
	v28 =	vld.idx.msk [tilespmem:v9+s9+$0xFFFFFF00 ss:$0x1], $0xffff  }
0xf1: {  	v34 =	vadd.f32 v29, v34;
	v29 =	vld.idx.msk [tilespmem:v9+s9+$0xFFFFFF80 ss:$0x1], $0xffff  }
0xf2: {  	v35 =	vadd.f32 v33, v35;
	v33 =	vld.idx.msk [tilespmem:v9+s9+$0x0 ss:$0x1], $0xffff  }
0xf3: {  	_ = 	snop  }
0xf4: {  	_ =	swait.ge [sflag:s20], $0x9000  }
0xf5: {  	[sflag:s20] =	ssyncset.done $0x0  }
0xf6: {  	s9 =	simm.s32 $0x0;
	[sflag:s20] =	ssyncadd.s32 $0xFFFF7000  }
0xf7: {  	v30 =	vld.idx.msk [tilespmem:v10+s9+$0x80 ss:$0x1], $0xffff  }
0xf8: {  	v9 =	vadd.f32 v27, v31;
	v27 =	vadd.f32 v28, v32;
	v32 =	vld.idx.msk [tilespmem:v10+s9+$0xFFFFFF00 ss:$0x1], $0xffff  }
0xf9: {  	v36 =	vimm.f32 $0.0e+00;
	v37 =	vimm.f32 $0.0e+00;
	v28 =	vadd.f32 v29, v34;
	v31 =	vld.idx.msk [tilespmem:v10+s9+$0xFFFFFF80 ss:$0x1], $0xffff  }
0xfa: {  	s8 =	simm.s32 $0x800;
	v34 =	vimm.f32 $0.0e+00;
	v29 =	vadd.f32 v33, v35;
	v33 =	vld.idx.msk [tilespmem:v10+s9+$0x0 ss:$0x1], $0xffff;
	v35 =	vimm.f32 $0.0e+00  }
.LBB2_22:
0xfb: {  	p1 =	sne.s32 s8, $0x23800  }
.Ltmp14:
0xfc: {  	s9 =	sshra.s32 s8, $0x2;
	s8 =	sadd.s32 $0x800, s8;
	(pc) =	sbr.rel @p1 .LBB2_22-.Ltmp14, $4  }
0xfd: {  	v36 =	vadd.f32 v30, v36;
	v30 =	vld.idx.msk [tilespmem:v10+s9+$0x80 ss:$0x1], $0xffff  }
0xfe: {  	v37 =	vadd.f32 v32, v37;
	v32 =	vld.idx.msk [tilespmem:v10+s9+$0xFFFFFF00 ss:$0x1], $0xffff  }
0xff: {  	v34 =	vadd.f32 v31, v34;
	v31 =	vld.idx.msk [tilespmem:v10+s9+$0xFFFFFF80 ss:$0x1], $0xffff  }
0x100: {  	v35 =	vadd.f32 v33, v35;
	v33 =	vld.idx.msk [tilespmem:v10+s9+$0x0 ss:$0x1], $0xffff  }
0x101: {  	v10 =	vadd.f32 v13, v12  }
0x102: {  	v11 =	vadd.f32 v11, v14;
	v47 =	vadd.f32 v17, v16  }
0x103: {  	v48 =	vadd.f32 v15, v18;
	v49 =	vadd.f32 v21, v20  }
0x104: {  	v50 =	vadd.f32 v19, v22;
	v52 =	vadd.f32 v25, v24  }
0x105: {  	v53 =	vadd.f32 v23, v26;
	v10 =	vadd.f32 v11, v10  }
0x106: {  	v57 =	vadd.f32 v28, v27;
	v9 =	vadd.f32 v9, v29  }
0x107: {  	v11 =	vadd.f32 v48, v47;
	v10 =	vadd.f32 $0.0e+00, v10  }
0x108: {  	v54 =	vadd.f32 v30, v36;
	v51 =	vadd.f32 v50, v49  }
0x109: {  	v55 =	vadd.f32 v32, v37;
	v10 =	vadd.f32 v11, v10  }
0x10a: {  	v56 =	vadd.f32 v53, v52;
	v58 =	vadd.f32 v31, v34  }
0x10b: {  	v59 =	vadd.f32 v33, v35;
	v10 =	vadd.f32 v51, v10  }
0x10c: {  	v9 =	vadd.f32 v9, v57;
	v60 =	vadd.f32 v58, v55  }
0x10d: {  	v61 =	vadd.f32 v54, v59;
	v10 =	vadd.f32 v56, v10;
	_ =	sdelay $0x1  }
0x10e: {  	v62 =	vadd.f32 v61, v60;
	v9 =	vadd.f32 v9, v10  }
0x10f: {  	v63 =	vld [tilespmem:$0x12080]  }
0x110: {  	v9 =	vadd.f32 v62, v9;
	_ =	sdelay $0x1  }
.Ltmp15:
0x111: {  	v8 =	vmul.f32 v9, v8;
	(pc) =	sbr.rel .LBB2_24-.Ltmp15, $3  }
0x112: {  	_ = 	snop  }
0x113: {  	v8 =	vadd.f32 v63, v8;
	_ =	sdelay $0x1  }
0x114: {  	[tilespmem:$0x12080] =	vst v8  }
.LBB2_26:
0x115: {  	_ =	sfence.sel $0x180000  }
0x116: {  	[bflag:$0x0] =	sbarrier.arrive $0xFFFF  }
0x117: {  	_ =	strace $0x90000047  }
0x118: {  	s0 =	stileid.u32;
	[bflag:$0x2] =	sbarrier.arrive $0xFFFF  }
0x119: {  	p0 =	sne.s32 s0, $0x0;
	s0 =	rddreg [dreg:$0x3]  }
0x11a: {  	s0 =	sadd.s32 @!p0 $0x100000, s0  }
0x11b: {  	[sflag:s0] =	ssyncadd.tile.s32 @!p0 $0x1;
	_ =	shalt  }
.Lfunc_end2:
_tile_overlayer_lowered:
.L_overlay_start_2:
0x11c: {  	(tag) =	ssettag $0x2  }
0x11d: {  	s0 =	rddreg [dreg:$0x0];
	s2 =	stileid.u32  }
0x11e: {  	s1 =	rddreg [dreg:$0x1];
	p0 =	sne.s32 s2, $0x0  }
0x11f: {  	s3 =	rddreg [dreg:$0x2];
	[bflag:$0x3] =	sbarrier.arrive $0xFFFF;
	s2 =	simm.s32 @!p0 $0x1C03  }
0x120: {  	[timem:s3], [sflag:s2] =	dma.local @!p0 [hbm:s0], s1  }
0x121: {  	s0 =	simm.s32 @!p0 $0x3  }
0x122: {  	_ =	swait.ge @!p0 [sflag:s0], s1  }
0x123: {  	s1 =	ssub.s32 @!p0 $0x0, s1;
	[sflag:s0] =	ssyncset.done @!p0 $0x0  }
0x124: {  	[sflag:s0] =	ssyncadd.s32 @!p0 s1  }
0x125: {  	[bflag:$0x3] =	sbarrier.arrive $0xFFFF  }
0x126: {  	_ =	shalt  }

</sc_bundles>
